<compile_context>
chip_gen: v7x
topology: tpu7x:2x2x1
jax: 0.10.2.dev20260603
libtpu: 0.0.44.dev20260713+nightly
codegen_flags: <defaults>
</compile_context>

<pallas_src>
import functools

import jax
import jax.numpy as jnp
from jax import lax
from jax.experimental import pallas as pl
from jax.experimental.pallas import tpu as pltpu
from jax.experimental.pallas import tpu_sc as plsc

N = 1_000_000
B = 16_384
NC = 2
NS = 16
NW = NC * NS
L = 16

CH = 31_296
CHK = CH // 4
NVK = CHK // L
CH_LAST = N - (NW - 1) * CH
CHK_TAIL = CH_LAST - 3 * CHK
NVK_TAIL = CHK_TAIL // L
BW = B // NW

_MESH = plsc.VectorSubcoreMesh(core_axis_name="c", subcore_axis_name="s")


@functools.partial(
    pl.kernel,
    mesh=_MESH,
    out_type=(
        jax.ShapeDtypeStruct((B,), jnp.float32),
        jax.ShapeDtypeStruct((NW * L,), jnp.float32),
    ),
    scratch_types=[
        pltpu.VMEM((CHK,), jnp.float32),
        pltpu.VMEM((CHK,), jnp.float32),
        pltpu.VMEM((BW,), jnp.int32),
        pltpu.VMEM((BW,), jnp.float32),
        pltpu.VMEM((L,), jnp.float32),
        pltpu.SemaphoreType.DMA,
        pltpu.SemaphoreType.DMA,
        pltpu.SemaphoreType.DMA,
    ],
)
def _sc_gather_sumexp(logits_hbm, idx_hbm, g_out, part_out,
                      buf0, buf1, idx_v, g_v, acc_v, sem_g, sem0, sem1):
    wid = lax.axis_index("s") * NC + lax.axis_index("c")
    is_last = wid == NW - 1
    base = wid * CH

    zero = jnp.zeros((L,), jnp.float32)

    UNR = 9

    def accum3(buf, nvec, init):
        ntrip, rem = divmod(nvec, UNR)

        def body(i, accs):
            new = []
            for j in range(UNR):
                new.append(
                    accs[j] + jnp.exp(buf[pl.ds((i * UNR + j) * L, L)]))
            return tuple(new)

        accs = lax.fori_loop(
            0, ntrip, body, (init,) + (zero,) * (UNR - 1))
        out = accs[0]
        for j in range(1, UNR):
            out = out + accs[j]
        for j in range(rem):
            out = out + jnp.exp(buf[pl.ds((ntrip * UNR + j) * L, L)])
        return out

    b3 = base + 3 * CHK
    full3_src = logits_hbm.at[pl.ds(b3, CHK)]
    tail3_src = logits_hbm.at[pl.ds(b3, CHK_TAIL)]
    tail3_dst = buf1.at[pl.ds(0, CHK_TAIL)]

    c0 = pltpu.async_copy(logits_hbm.at[pl.ds(base, CHK)], buf0, sem0)
    c1 = pltpu.async_copy(logits_hbm.at[pl.ds(base + CHK, CHK)], buf1, sem1)

    pltpu.sync_copy(idx_hbm.at[pl.ds(wid * BW, BW)], idx_v)
    gather = pltpu.async_copy(logits_hbm.at[idx_v], g_v, sem_g)

    c0.wait()
    acc = accum3(buf0, NVK, zero)
    c2 = pltpu.async_copy(logits_hbm.at[pl.ds(base + 2 * CHK, CHK)],
                          buf0, sem0)

    c1.wait()
    acc = accum3(buf1, NVK, acc)

    @pl.when(jnp.logical_not(is_last))
    def _():
        pltpu.async_copy(full3_src, buf1, sem1)

    @pl.when(is_last)
    def _():
        pltpu.async_copy(tail3_src, tail3_dst, sem1)

    c2.wait()
    acc = accum3(buf0, NVK, acc)

    acc_v[...] = acc

    @pl.when(jnp.logical_not(is_last))
    def _():
        pltpu.make_async_copy(full3_src, buf1, sem1).wait()
        acc_v[...] = accum3(buf1, NVK, acc_v[...])

    @pl.when(is_last)
    def _():
        pltpu.make_async_copy(tail3_src, tail3_dst, sem1).wait()
        acc_v[...] = accum3(buf1, NVK_TAIL, acc_v[...])

    pltpu.sync_copy(acc_v, part_out.at[pl.ds(wid * L, L)])
    gather.wait()
    pltpu.sync_copy(g_v, g_out.at[pl.ds(wid * BW, BW)])


def _fin_body(g_ref, part_ref, out_ref):
    s = jnp.sum(part_ref[...])
    out_ref[...] = jnp.exp(g_ref[...]) * (1.0 / s)


def kernel(sample_indices, sample_logits):
    idx = sample_indices.astype(jnp.int32)
    g, part = _sc_gather_sumexp(sample_logits, idx)
    return pl.pallas_call(
        _fin_body,
        out_shape=jax.ShapeDtypeStruct((B,), jnp.float32),
    )(g, part)

# --- scband reference (transcript-rebuilt; emitter-appended) ---
"""Pipeline reference for scband-weighting-model-75359496175950 (READ-ONLY COPY).

The authoritative reference and input builder live on the scoring server;
editing this copy changes nothing except your own understanding.
"""

import jax, jax.numpy as jnp
import numpy as np

NUM_SAMPLES = 1000000
BATCH = 16384

def setup_inputs(seed: int = 0) -> dict:
    key = jax.random.key(seed)
    k1, k2 = jax.random.split(key)
    sample_indices = jax.random.randint(k1, (BATCH,), 0, NUM_SAMPLES, dtype=jnp.int64 if jax.config.jax_enable_x64 else jnp.int32)
    sample_logits = jax.random.normal(k2, (NUM_SAMPLES,), dtype=jnp.float32) * 0.1
    return {"sample_indices": sample_indices, "sample_logits": sample_logits}

def reference(sample_indices, sample_logits):
    # Faithful translation of WeightingModel.forward:
    # softmax over the full per-sample logit vector, then gather at indices.
    all_weights = jax.nn.softmax(sample_logits, axis=-1)
    return jnp.take(all_weights, sample_indices, axis=0)

if __name__ == "__main__":
    import jax
    _d = setup_inputs()
    print(jax.jit(kernel)(*tuple(_d.values())))

</pallas_src>

<mosaic_0001>
#map = affine_map<(d0, d1) -> (0)>
module attributes {stable_mosaic.version = 14 : i64} {
  func.func @_sc_gather_sumexp(%arg0: i32, %arg1: i32, %arg2: memref<1000000xf32, #tpu.memory_space<hbm>>, %arg3: memref<16384xi32, #tpu.memory_space<hbm>>, %arg4: memref<16384xf32, #tpu.memory_space<hbm>>, %arg5: memref<512xf32, #tpu.memory_space<hbm>>, %arg6: memref<7824xf32, #tpu.memory_space<vmem>>, %arg7: memref<7824xf32, #tpu.memory_space<vmem>>, %arg8: memref<512xi32, #tpu.memory_space<vmem>>, %arg9: memref<512xf32, #tpu.memory_space<vmem>>, %arg10: memref<16xf32, #tpu.memory_space<vmem>>, %arg11: memref<!tpu.dma_semaphore, #tpu.memory_space<semaphore_mem>>, %arg12: memref<!tpu.dma_semaphore, #tpu.memory_space<semaphore_mem>>, %arg13: memref<!tpu.dma_semaphore, #tpu.memory_space<semaphore_mem>>) attributes {dimension_semantics = [#tpu.dimension_semantics<core_parallel>, #tpu.dimension_semantics<subcore_parallel>], iteration_bounds = array<i64: 2, 16>, scalar_prefetch = 0 : i64, scratch_operands = 8 : i64, tpu.core_type = #tpu.core_type<sc_vector_subcore>, window_params = [{transform_indices = #map}, {transform_indices = #map}, {transform_indices = #map}, {transform_indices = #map}]} {
    %mul3A = arith.constant 2 : i32
    %mul3A_0 = arith.muli %arg1, %mul3A : i32
    %add3A = arith.addi %mul3A_0, %arg0 : i32
    %eq3A = arith.constant 31 : i32
    %eq3A_1 = arith.cmpi eq, %add3A, %eq3A : i32
    %mul3A_2 = arith.constant 31296 : i32
    %mul3A_3 = arith.muli %add3A, %mul3A_2 : i32
    %broadcast_in_dim3A = arith.constant 0.000000e+00 : f32
    %broadcast_in_dim3A_4 = vector.broadcast %broadcast_in_dim3A : f32 to vector<16xf32>
    %add3A_5 = arith.constant 23472 : i32
    %add3A_6 = arith.addi %mul3A_3, %add3A_5 : i32
    %dma_start3A = tpu.memref_slice %arg2[%mul3A_3] : memref<1000000xf32, #tpu.memory_space<hbm>> -> memref<7824xf32, #tpu.memory_space<hbm>>
    %dma_start3A_7 = tpu.memref_slice %arg2[%mul3A_3] : memref<1000000xf32, #tpu.memory_space<hbm>> -> memref<7824xf32, #tpu.memory_space<hbm>>
    tpu.enqueue_dma source(%dma_start3A_7 : memref<7824xf32, #tpu.memory_space<hbm>>) target(%arg6 : memref<7824xf32, #tpu.memory_space<vmem>>) target_semaphore(%arg12 : memref<!tpu.dma_semaphore, #tpu.memory_space<semaphore_mem>>)
    %add3A_8 = arith.constant 7824 : i32
    %add3A_9 = arith.addi %mul3A_3, %add3A_8 : i32
    %dma_start3A_10 = tpu.memref_slice %arg2[%add3A_9] : memref<1000000xf32, #tpu.memory_space<hbm>> -> memref<7824xf32, #tpu.memory_space<hbm>>
    %dma_start3A_11 = tpu.memref_slice %arg2[%add3A_9] : memref<1000000xf32, #tpu.memory_space<hbm>> -> memref<7824xf32, #tpu.memory_space<hbm>>
    tpu.enqueue_dma source(%dma_start3A_11 : memref<7824xf32, #tpu.memory_space<hbm>>) target(%arg7 : memref<7824xf32, #tpu.memory_space<vmem>>) target_semaphore(%arg13 : memref<!tpu.dma_semaphore, #tpu.memory_space<semaphore_mem>>)
    %mul3A_12 = arith.constant 512 : i32
    %mul3A_13 = arith.muli %add3A, %mul3A_12 : i32
    "tpu.region"() ({
      %run_scoped3A = tpu.sem_alloc : memref<!tpu.dma_semaphore, #tpu.memory_space<semaphore_mem>>
      %dma_start3A_131 = tpu.memref_slice %arg3[%mul3A_13] : memref<16384xi32, #tpu.memory_space<hbm>> -> memref<512xi32, #tpu.memory_space<hbm>>
      %dma_start3A_132 = tpu.memref_slice %arg3[%mul3A_13] : memref<16384xi32, #tpu.memory_space<hbm>> -> memref<512xi32, #tpu.memory_space<hbm>>
      tpu.enqueue_dma source(%dma_start3A_132 : memref<512xi32, #tpu.memory_space<hbm>>) target(%arg8 : memref<512xi32, #tpu.memory_space<vmem>>) target_semaphore(%run_scoped3A : memref<!tpu.dma_semaphore, #tpu.memory_space<semaphore_mem>>)
      %dma_wait3A_133 = tpu.memref_slice %arg3[%mul3A_13] : memref<16384xi32, #tpu.memory_space<hbm>> -> memref<512xi32, #tpu.memory_space<hbm>>
      %dma_wait3A_134 = tpu.memref_slice %arg3[%mul3A_13] : memref<16384xi32, #tpu.memory_space<hbm>> -> memref<512xi32, #tpu.memory_space<hbm>>
      tpu.wait_dma2 semaphore(%run_scoped3A : memref<!tpu.dma_semaphore, #tpu.memory_space<semaphore_mem>>) src(%dma_wait3A_134 : memref<512xi32, #tpu.memory_space<hbm>>) dst(%arg8 : memref<512xi32, #tpu.memory_space<vmem>>)
      tpu.yield
    }) : () -> ()
    %dma_start3A_14 = arith.constant 0 : i32
    %dma_start3A_15 = tpu.memref_slice %arg2[%dma_start3A_14] : memref<1000000xf32, #tpu.memory_space<hbm>> -> memref<1000000xf32, #tpu.memory_space<hbm>>
    tpu.enqueue_indirect_dma source(%dma_start3A_15 : memref<1000000xf32, #tpu.memory_space<hbm>>) target(%arg9 : memref<512xf32, #tpu.memory_space<vmem>>) offsets(%arg8 : memref<512xi32, #tpu.memory_space<vmem>>) semaphore(%arg11 : memref<!tpu.dma_semaphore, #tpu.memory_space<semaphore_mem>>)
    %dma_wait3A = tpu.memref_slice %arg2[%mul3A_3] : memref<1000000xf32, #tpu.memory_space<hbm>> -> memref<7824xf32, #tpu.memory_space<hbm>>
    %dma_wait3A_16 = tpu.memref_slice %arg2[%mul3A_3] : memref<1000000xf32, #tpu.memory_space<hbm>> -> memref<7824xf32, #tpu.memory_space<hbm>>
    tpu.wait_dma2 semaphore(%arg12 : memref<!tpu.dma_semaphore, #tpu.memory_space<semaphore_mem>>) src(%dma_wait3A_16 : memref<7824xf32, #tpu.memory_space<hbm>>) dst(%arg6 : memref<7824xf32, #tpu.memory_space<vmem>>)
    %scan3A = arith.constant 0 : i32
    %scan3A_17 = arith.constant 54 : i32
    %scan3A_18 = arith.addi %scan3A, %scan3A_17 : i32
    %scan3A_19 = arith.constant 1 : i32
    %scan3A_20:9 = scf.for %scan3A_131 = %scan3A to %scan3A_18 step %scan3A_19 iter_args(%scan3A_132 = %broadcast_in_dim3A_4, %scan3A_133 = %broadcast_in_dim3A_4, %scan3A_134 = %broadcast_in_dim3A_4, %scan3A_135 = %broadcast_in_dim3A_4, %scan3A_136 = %broadcast_in_dim3A_4, %scan3A_137 = %broadcast_in_dim3A_4, %scan3A_138 = %broadcast_in_dim3A_4, %scan3A_139 = %broadcast_in_dim3A_4, %scan3A_140 = %broadcast_in_dim3A_4) -> (vector<16xf32>, vector<16xf32>, vector<16xf32>, vector<16xf32>, vector<16xf32>, vector<16xf32>, vector<16xf32>, vector<16xf32>, vector<16xf32>)  : i32 {
      %mul3A_141 = arith.constant 9 : i32
      %mul3A_142 = arith.muli %scan3A_131, %mul3A_141 : i32
      %add3A_143 = arith.constant 0 : i32
      %add3A_144 = arith.addi %mul3A_142, %add3A_143 : i32
      %mul3A_145 = arith.constant 16 : i32
      %mul3A_146 = arith.muli %add3A_144, %mul3A_145 : i32
      %get3A_147 = arith.index_cast %mul3A_146 : i32 to index
      %get3A_148 = tpu.vector_load %arg6[%get3A_147] {strides = array<i32>} : memref<7824xf32, #tpu.memory_space<vmem>>, vector<16xf32>,
      %get3A_149 = vector.shape_cast %get3A_148 : vector<16xf32> to vector<16xf32>
      %exp3A_150 = math.exp %get3A_149 : vector<16xf32>
      %add3A_151 = arith.addf %scan3A_132, %exp3A_150 : vector<16xf32>
      %mul3A_152 = arith.constant 9 : i32
      %mul3A_153 = arith.muli %scan3A_131, %mul3A_152 : i32
      %add3A_154 = arith.constant 1 : i32
      %add3A_155 = arith.addi %mul3A_153, %add3A_154 : i32
      %mul3A_156 = arith.constant 16 : i32
      %mul3A_157 = arith.muli %add3A_155, %mul3A_156 : i32
      %get3A_158 = arith.index_cast %mul3A_157 : i32 to index
      %get3A_159 = tpu.vector_load %arg6[%get3A_158] {strides = array<i32>} : memref<7824xf32, #tpu.memory_space<vmem>>, vector<16xf32>,
      %get3A_160 = vector.shape_cast %get3A_159 : vector<16xf32> to vector<16xf32>
      %exp3A_161 = math.exp %get3A_160 : vector<16xf32>
      %add3A_162 = arith.addf %scan3A_133, %exp3A_161 : vector<16xf32>
      %mul3A_163 = arith.constant 9 : i32
      %mul3A_164 = arith.muli %scan3A_131, %mul3A_163 : i32
      %add3A_165 = arith.constant 2 : i32
      %add3A_166 = arith.addi %mul3A_164, %add3A_165 : i32
      %mul3A_167 = arith.constant 16 : i32
      %mul3A_168 = arith.muli %add3A_166, %mul3A_167 : i32
      %get3A_169 = arith.index_cast %mul3A_168 : i32 to index
      %get3A_170 = tpu.vector_load %arg6[%get3A_169] {strides = array<i32>} : memref<7824xf32, #tpu.memory_space<vmem>>, vector<16xf32>,
      %get3A_171 = vector.shape_cast %get3A_170 : vector<16xf32> to vector<16xf32>
      %exp3A_172 = math.exp %get3A_171 : vector<16xf32>
      %add3A_173 = arith.addf %scan3A_134, %exp3A_172 : vector<16xf32>
      %mul3A_174 = arith.constant 9 : i32
      %mul3A_175 = arith.muli %scan3A_131, %mul3A_174 : i32
      %add3A_176 = arith.constant 3 : i32
      %add3A_177 = arith.addi %mul3A_175, %add3A_176 : i32
      %mul3A_178 = arith.constant 16 : i32
      %mul3A_179 = arith.muli %add3A_177, %mul3A_178 : i32
      %get3A_180 = arith.index_cast %mul3A_179 : i32 to index
      %get3A_181 = tpu.vector_load %arg6[%get3A_180] {strides = array<i32>} : memref<7824xf32, #tpu.memory_space<vmem>>, vector<16xf32>,
      %get3A_182 = vector.shape_cast %get3A_181 : vector<16xf32> to vector<16xf32>
      %exp3A_183 = math.exp %get3A_182 : vector<16xf32>
      %add3A_184 = arith.addf %scan3A_135, %exp3A_183 : vector<16xf32>
      %mul3A_185 = arith.constant 9 : i32
      %mul3A_186 = arith.muli %scan3A_131, %mul3A_185 : i32
      %add3A_187 = arith.constant 4 : i32
      %add3A_188 = arith.addi %mul3A_186, %add3A_187 : i32
      %mul3A_189 = arith.constant 16 : i32
      %mul3A_190 = arith.muli %add3A_188, %mul3A_189 : i32
      %get3A_191 = arith.index_cast %mul3A_190 : i32 to index
      %get3A_192 = tpu.vector_load %arg6[%get3A_191] {strides = array<i32>} : memref<7824xf32, #tpu.memory_space<vmem>>, vector<16xf32>,
      %get3A_193 = vector.shape_cast %get3A_192 : vector<16xf32> to vector<16xf32>
      %exp3A_194 = math.exp %get3A_193 : vector<16xf32>
      %add3A_195 = arith.addf %scan3A_136, %exp3A_194 : vector<16xf32>
      %mul3A_196 = arith.constant 9 : i32
      %mul3A_197 = arith.muli %scan3A_131, %mul3A_196 : i32
      %add3A_198 = arith.constant 5 : i32
      %add3A_199 = arith.addi %mul3A_197, %add3A_198 : i32
      %mul3A_200 = arith.constant 16 : i32
      %mul3A_201 = arith.muli %add3A_199, %mul3A_200 : i32
      %get3A_202 = arith.index_cast %mul3A_201 : i32 to index
      %get3A_203 = tpu.vector_load %arg6[%get3A_202] {strides = array<i32>} : memref<7824xf32, #tpu.memory_space<vmem>>, vector<16xf32>,
      %get3A_204 = vector.shape_cast %get3A_203 : vector<16xf32> to vector<16xf32>
      %exp3A_205 = math.exp %get3A_204 : vector<16xf32>
      %add3A_206 = arith.addf %scan3A_137, %exp3A_205 : vector<16xf32>
      %mul3A_207 = arith.constant 9 : i32
      %mul3A_208 = arith.muli %scan3A_131, %mul3A_207 : i32
      %add3A_209 = arith.constant 6 : i32
      %add3A_210 = arith.addi %mul3A_208, %add3A_209 : i32
      %mul3A_211 = arith.constant 16 : i32
      %mul3A_212 = arith.muli %add3A_210, %mul3A_211 : i32
      %get3A_213 = arith.index_cast %mul3A_212 : i32 to index
      %get3A_214 = tpu.vector_load %arg6[%get3A_213] {strides = array<i32>} : memref<7824xf32, #tpu.memory_space<vmem>>, vector<16xf32>,
      %get3A_215 = vector.shape_cast %get3A_214 : vector<16xf32> to vector<16xf32>
      %exp3A_216 = math.exp %get3A_215 : vector<16xf32>
      %add3A_217 = arith.addf %scan3A_138, %exp3A_216 : vector<16xf32>
      %mul3A_218 = arith.constant 9 : i32
      %mul3A_219 = arith.muli %scan3A_131, %mul3A_218 : i32
      %add3A_220 = arith.constant 7 : i32
      %add3A_221 = arith.addi %mul3A_219, %add3A_220 : i32
      %mul3A_222 = arith.constant 16 : i32
      %mul3A_223 = arith.muli %add3A_221, %mul3A_222 : i32
      %get3A_224 = arith.index_cast %mul3A_223 : i32 to index
      %get3A_225 = tpu.vector_load %arg6[%get3A_224] {strides = array<i32>} : memref<7824xf32, #tpu.memory_space<vmem>>, vector<16xf32>,
      %get3A_226 = vector.shape_cast %get3A_225 : vector<16xf32> to vector<16xf32>
      %exp3A_227 = math.exp %get3A_226 : vector<16xf32>
      %add3A_228 = arith.addf %scan3A_139, %exp3A_227 : vector<16xf32>
      %mul3A_229 = arith.constant 9 : i32
      %mul3A_230 = arith.muli %scan3A_131, %mul3A_229 : i32
      %add3A_231 = arith.constant 8 : i32
      %add3A_232 = arith.addi %mul3A_230, %add3A_231 : i32
      %mul3A_233 = arith.constant 16 : i32
      %mul3A_234 = arith.muli %add3A_232, %mul3A_233 : i32
      %get3A_235 = arith.index_cast %mul3A_234 : i32 to index
      %get3A_236 = tpu.vector_load %arg6[%get3A_235] {strides = array<i32>} : memref<7824xf32, #tpu.memory_space<vmem>>, vector<16xf32>,
      %get3A_237 = vector.shape_cast %get3A_236 : vector<16xf32> to vector<16xf32>
      %exp3A_238 = math.exp %get3A_237 : vector<16xf32>
      %add3A_239 = arith.addf %scan3A_140, %exp3A_238 : vector<16xf32>
      scf.yield %add3A_151, %add3A_162, %add3A_173, %add3A_184, %add3A_195, %add3A_206, %add3A_217, %add3A_228, %add3A_239 : vector<16xf32>, vector<16xf32>, vector<16xf32>, vector<16xf32>, vector<16xf32>, vector<16xf32>, vector<16xf32>, vector<16xf32>, vector<16xf32>
    }
    %scan3A_21 = arith.constant 54 : i32
    %add3A_22 = arith.addf %scan3A_20#0, %scan3A_20#1 : vector<16xf32>
    %add3A_23 = arith.addf %add3A_22, %scan3A_20#2 : vector<16xf32>
    %add3A_24 = arith.addf %add3A_23, %scan3A_20#3 : vector<16xf32>
    %add3A_25 = arith.addf %add3A_24, %scan3A_20#4 : vector<16xf32>
    %add3A_26 = arith.addf %add3A_25, %scan3A_20#5 : vector<16xf32>
    %add3A_27 = arith.addf %add3A_26, %scan3A_20#6 : vector<16xf32>
    %add3A_28 = arith.addf %add3A_27, %scan3A_20#7 : vector<16xf32>
    %add3A_29 = arith.addf %add3A_28, %scan3A_20#8 : vector<16xf32>
    %get3A = arith.constant 7776 : index
    %get3A_30 = tpu.vector_load %arg6[%get3A] {strides = array<i32>} : memref<7824xf32, #tpu.memory_space<vmem>>, vector<16xf32>,
    %get3A_31 = vector.shape_cast %get3A_30 : vector<16xf32> to vector<16xf32>
    %exp3A = math.exp %get3A_31 : vector<16xf32>
    %add3A_32 = arith.addf %add3A_29, %exp3A : vector<16xf32>
    %get3A_33 = arith.constant 7792 : index
    %get3A_34 = tpu.vector_load %arg6[%get3A_33] {strides = array<i32>} : memref<7824xf32, #tpu.memory_space<vmem>>, vector<16xf32>,
    %get3A_35 = vector.shape_cast %get3A_34 : vector<16xf32> to vector<16xf32>
    %exp3A_36 = math.exp %get3A_35 : vector<16xf32>
    %add3A_37 = arith.addf %add3A_32, %exp3A_36 : vector<16xf32>
    %get3A_38 = arith.constant 7808 : index
    %get3A_39 = tpu.vector_load %arg6[%get3A_38] {strides = array<i32>} : memref<7824xf32, #tpu.memory_space<vmem>>, vector<16xf32>,
    %get3A_40 = vector.shape_cast %get3A_39 : vector<16xf32> to vector<16xf32>
    %exp3A_41 = math.exp %get3A_40 : vector<16xf32>
    %add3A_42 = arith.addf %add3A_37, %exp3A_41 : vector<16xf32>
    %add3A_43 = arith.constant 15648 : i32
    %add3A_44 = arith.addi %mul3A_3, %add3A_43 : i32
    %dma_start3A_45 = tpu.memref_slice %arg2[%add3A_44] : memref<1000000xf32, #tpu.memory_space<hbm>> -> memref<7824xf32, #tpu.memory_space<hbm>>
    %dma_start3A_46 = tpu.memref_slice %arg2[%add3A_44] : memref<1000000xf32, #tpu.memory_space<hbm>> -> memref<7824xf32, #tpu.memory_space<hbm>>
    tpu.enqueue_dma source(%dma_start3A_46 : memref<7824xf32, #tpu.memory_space<hbm>>) target(%arg6 : memref<7824xf32, #tpu.memory_space<vmem>>) target_semaphore(%arg12 : memref<!tpu.dma_semaphore, #tpu.memory_space<semaphore_mem>>)
    %dma_wait3A_47 = tpu.memref_slice %arg2[%add3A_9] : memref<1000000xf32, #tpu.memory_space<hbm>> -> memref<7824xf32, #tpu.memory_space<hbm>>
    %dma_wait3A_48 = tpu.memref_slice %arg2[%add3A_9] : memref<1000000xf32, #tpu.memory_space<hbm>> -> memref<7824xf32, #tpu.memory_space<hbm>>
    tpu.wait_dma2 semaphore(%arg13 : memref<!tpu.dma_semaphore, #tpu.memory_space<semaphore_mem>>) src(%dma_wait3A_48 : memref<7824xf32, #tpu.memory_space<hbm>>) dst(%arg7 : memref<7824xf32, #tpu.memory_space<vmem>>)
    %scan3A_49 = arith.constant 0 : i32
    %scan3A_50 = arith.constant 54 : i32
    %scan3A_51 = arith.addi %scan3A_49, %scan3A_50 : i32
    %scan3A_52 = arith.constant 1 : i32
    %scan3A_53:9 = scf.for %scan3A_131 = %scan3A_49 to %scan3A_51 step %scan3A_52 iter_args(%scan3A_132 = %add3A_42, %scan3A_133 = %broadcast_in_dim3A_4, %scan3A_134 = %broadcast_in_dim3A_4, %scan3A_135 = %broadcast_in_dim3A_4, %scan3A_136 = %broadcast_in_dim3A_4, %scan3A_137 = %broadcast_in_dim3A_4, %scan3A_138 = %broadcast_in_dim3A_4, %scan3A_139 = %broadcast_in_dim3A_4, %scan3A_140 = %broadcast_in_dim3A_4) -> (vector<16xf32>, vector<16xf32>, vector<16xf32>, vector<16xf32>, vector<16xf32>, vector<16xf32>, vector<16xf32>, vector<16xf32>, vector<16xf32>)  : i32 {
      %mul3A_141 = arith.constant 9 : i32
      %mul3A_142 = arith.muli %scan3A_131, %mul3A_141 : i32
      %add3A_143 = arith.constant 0 : i32
      %add3A_144 = arith.addi %mul3A_142, %add3A_143 : i32
      %mul3A_145 = arith.constant 16 : i32
      %mul3A_146 = arith.muli %add3A_144, %mul3A_145 : i32
      %get3A_147 = arith.index_cast %mul3A_146 : i32 to index
      %get3A_148 = tpu.vector_load %arg7[%get3A_147] {strides = array<i32>} : memref<7824xf32, #tpu.memory_space<vmem>>, vector<16xf32>,
      %get3A_149 = vector.shape_cast %get3A_148 : vector<16xf32> to vector<16xf32>
      %exp3A_150 = math.exp %get3A_149 : vector<16xf32>
      %add3A_151 = arith.addf %scan3A_132, %exp3A_150 : vector<16xf32>
      %mul3A_152 = arith.constant 9 : i32
      %mul3A_153 = arith.muli %scan3A_131, %mul3A_152 : i32
      %add3A_154 = arith.constant 1 : i32
      %add3A_155 = arith.addi %mul3A_153, %add3A_154 : i32
      %mul3A_156 = arith.constant 16 : i32
      %mul3A_157 = arith.muli %add3A_155, %mul3A_156 : i32
      %get3A_158 = arith.index_cast %mul3A_157 : i32 to index
      %get3A_159 = tpu.vector_load %arg7[%get3A_158] {strides = array<i32>} : memref<7824xf32, #tpu.memory_space<vmem>>, vector<16xf32>,
      %get3A_160 = vector.shape_cast %get3A_159 : vector<16xf32> to vector<16xf32>
      %exp3A_161 = math.exp %get3A_160 : vector<16xf32>
      %add3A_162 = arith.addf %scan3A_133, %exp3A_161 : vector<16xf32>
      %mul3A_163 = arith.constant 9 : i32
      %mul3A_164 = arith.muli %scan3A_131, %mul3A_163 : i32
      %add3A_165 = arith.constant 2 : i32
      %add3A_166 = arith.addi %mul3A_164, %add3A_165 : i32
      %mul3A_167 = arith.constant 16 : i32
      %mul3A_168 = arith.muli %add3A_166, %mul3A_167 : i32
      %get3A_169 = arith.index_cast %mul3A_168 : i32 to index
      %get3A_170 = tpu.vector_load %arg7[%get3A_169] {strides = array<i32>} : memref<7824xf32, #tpu.memory_space<vmem>>, vector<16xf32>,
      %get3A_171 = vector.shape_cast %get3A_170 : vector<16xf32> to vector<16xf32>
      %exp3A_172 = math.exp %get3A_171 : vector<16xf32>
      %add3A_173 = arith.addf %scan3A_134, %exp3A_172 : vector<16xf32>
      %mul3A_174 = arith.constant 9 : i32
      %mul3A_175 = arith.muli %scan3A_131, %mul3A_174 : i32
      %add3A_176 = arith.constant 3 : i32
      %add3A_177 = arith.addi %mul3A_175, %add3A_176 : i32
      %mul3A_178 = arith.constant 16 : i32
      %mul3A_179 = arith.muli %add3A_177, %mul3A_178 : i32
      %get3A_180 = arith.index_cast %mul3A_179 : i32 to index
      %get3A_181 = tpu.vector_load %arg7[%get3A_180] {strides = array<i32>} : memref<7824xf32, #tpu.memory_space<vmem>>, vector<16xf32>,
      %get3A_182 = vector.shape_cast %get3A_181 : vector<16xf32> to vector<16xf32>
      %exp3A_183 = math.exp %get3A_182 : vector<16xf32>
      %add3A_184 = arith.addf %scan3A_135, %exp3A_183 : vector<16xf32>
      %mul3A_185 = arith.constant 9 : i32
      %mul3A_186 = arith.muli %scan3A_131, %mul3A_185 : i32
      %add3A_187 = arith.constant 4 : i32
      %add3A_188 = arith.addi %mul3A_186, %add3A_187 : i32
      %mul3A_189 = arith.constant 16 : i32
      %mul3A_190 = arith.muli %add3A_188, %mul3A_189 : i32
      %get3A_191 = arith.index_cast %mul3A_190 : i32 to index
      %get3A_192 = tpu.vector_load %arg7[%get3A_191] {strides = array<i32>} : memref<7824xf32, #tpu.memory_space<vmem>>, vector<16xf32>,
      %get3A_193 = vector.shape_cast %get3A_192 : vector<16xf32> to vector<16xf32>
      %exp3A_194 = math.exp %get3A_193 : vector<16xf32>
      %add3A_195 = arith.addf %scan3A_136, %exp3A_194 : vector<16xf32>
      %mul3A_196 = arith.constant 9 : i32
      %mul3A_197 = arith.muli %scan3A_131, %mul3A_196 : i32
      %add3A_198 = arith.constant 5 : i32
      %add3A_199 = arith.addi %mul3A_197, %add3A_198 : i32
      %mul3A_200 = arith.constant 16 : i32
      %mul3A_201 = arith.muli %add3A_199, %mul3A_200 : i32
      %get3A_202 = arith.index_cast %mul3A_201 : i32 to index
      %get3A_203 = tpu.vector_load %arg7[%get3A_202] {strides = array<i32>} : memref<7824xf32, #tpu.memory_space<vmem>>, vector<16xf32>,
      %get3A_204 = vector.shape_cast %get3A_203 : vector<16xf32> to vector<16xf32>
      %exp3A_205 = math.exp %get3A_204 : vector<16xf32>
      %add3A_206 = arith.addf %scan3A_137, %exp3A_205 : vector<16xf32>
      %mul3A_207 = arith.constant 9 : i32
      %mul3A_208 = arith.muli %scan3A_131, %mul3A_207 : i32
      %add3A_209 = arith.constant 6 : i32
      %add3A_210 = arith.addi %mul3A_208, %add3A_209 : i32
      %mul3A_211 = arith.constant 16 : i32
      %mul3A_212 = arith.muli %add3A_210, %mul3A_211 : i32
      %get3A_213 = arith.index_cast %mul3A_212 : i32 to index
      %get3A_214 = tpu.vector_load %arg7[%get3A_213] {strides = array<i32>} : memref<7824xf32, #tpu.memory_space<vmem>>, vector<16xf32>,
      %get3A_215 = vector.shape_cast %get3A_214 : vector<16xf32> to vector<16xf32>
      %exp3A_216 = math.exp %get3A_215 : vector<16xf32>
      %add3A_217 = arith.addf %scan3A_138, %exp3A_216 : vector<16xf32>
      %mul3A_218 = arith.constant 9 : i32
      %mul3A_219 = arith.muli %scan3A_131, %mul3A_218 : i32
      %add3A_220 = arith.constant 7 : i32
      %add3A_221 = arith.addi %mul3A_219, %add3A_220 : i32
      %mul3A_222 = arith.constant 16 : i32
      %mul3A_223 = arith.muli %add3A_221, %mul3A_222 : i32
      %get3A_224 = arith.index_cast %mul3A_223 : i32 to index
      %get3A_225 = tpu.vector_load %arg7[%get3A_224] {strides = array<i32>} : memref<7824xf32, #tpu.memory_space<vmem>>, vector<16xf32>,
      %get3A_226 = vector.shape_cast %get3A_225 : vector<16xf32> to vector<16xf32>
      %exp3A_227 = math.exp %get3A_226 : vector<16xf32>
      %add3A_228 = arith.addf %scan3A_139, %exp3A_227 : vector<16xf32>
      %mul3A_229 = arith.constant 9 : i32
      %mul3A_230 = arith.muli %scan3A_131, %mul3A_229 : i32
      %add3A_231 = arith.constant 8 : i32
      %add3A_232 = arith.addi %mul3A_230, %add3A_231 : i32
      %mul3A_233 = arith.constant 16 : i32
      %mul3A_234 = arith.muli %add3A_232, %mul3A_233 : i32
      %get3A_235 = arith.index_cast %mul3A_234 : i32 to index
      %get3A_236 = tpu.vector_load %arg7[%get3A_235] {strides = array<i32>} : memref<7824xf32, #tpu.memory_space<vmem>>, vector<16xf32>,
      %get3A_237 = vector.shape_cast %get3A_236 : vector<16xf32> to vector<16xf32>
      %exp3A_238 = math.exp %get3A_237 : vector<16xf32>
      %add3A_239 = arith.addf %scan3A_140, %exp3A_238 : vector<16xf32>
      scf.yield %add3A_151, %add3A_162, %add3A_173, %add3A_184, %add3A_195, %add3A_206, %add3A_217, %add3A_228, %add3A_239 : vector<16xf32>, vector<16xf32>, vector<16xf32>, vector<16xf32>, vector<16xf32>, vector<16xf32>, vector<16xf32>, vector<16xf32>, vector<16xf32>
    }
    %scan3A_54 = arith.constant 54 : i32
    %add3A_55 = arith.addf %scan3A_53#0, %scan3A_53#1 : vector<16xf32>
    %add3A_56 = arith.addf %add3A_55, %scan3A_53#2 : vector<16xf32>
    %add3A_57 = arith.addf %add3A_56, %scan3A_53#3 : vector<16xf32>
    %add3A_58 = arith.addf %add3A_57, %scan3A_53#4 : vector<16xf32>
    %add3A_59 = arith.addf %add3A_58, %scan3A_53#5 : vector<16xf32>
    %add3A_60 = arith.addf %add3A_59, %scan3A_53#6 : vector<16xf32>
    %add3A_61 = arith.addf %add3A_60, %scan3A_53#7 : vector<16xf32>
    %add3A_62 = arith.addf %add3A_61, %scan3A_53#8 : vector<16xf32>
    %get3A_63 = arith.constant 7776 : index
    %get3A_64 = tpu.vector_load %arg7[%get3A_63] {strides = array<i32>} : memref<7824xf32, #tpu.memory_space<vmem>>, vector<16xf32>,
    %get3A_65 = vector.shape_cast %get3A_64 : vector<16xf32> to vector<16xf32>
    %exp3A_66 = math.exp %get3A_65 : vector<16xf32>
    %add3A_67 = arith.addf %add3A_62, %exp3A_66 : vector<16xf32>
    %get3A_68 = arith.constant 7792 : index
    %get3A_69 = tpu.vector_load %arg7[%get3A_68] {strides = array<i32>} : memref<7824xf32, #tpu.memory_space<vmem>>, vector<16xf32>,
    %get3A_70 = vector.shape_cast %get3A_69 : vector<16xf32> to vector<16xf32>
    %exp3A_71 = math.exp %get3A_70 : vector<16xf32>
    %add3A_72 = arith.addf %add3A_67, %exp3A_71 : vector<16xf32>
    %get3A_73 = arith.constant 7808 : index
    %get3A_74 = tpu.vector_load %arg7[%get3A_73] {strides = array<i32>} : memref<7824xf32, #tpu.memory_space<vmem>>, vector<16xf32>,
    %get3A_75 = vector.shape_cast %get3A_74 : vector<16xf32> to vector<16xf32>
    %exp3A_76 = math.exp %get3A_75 : vector<16xf32>
    %add3A_77 = arith.addf %add3A_72, %exp3A_76 : vector<16xf32>
    %not3A = arith.constant true
    %not3A_78 = arith.xori %eq3A_1, %not3A : i1
    %convert_element_type3A = arith.extui %not3A_78 : i1 to i32
    %cond3A = arith.constant 0 : i32
    %cond3A_79 = arith.cmpi ne, %convert_element_type3A, %cond3A : i32
    scf.if %cond3A_79 {
      %dma_start3A_131 = tpu.memref_slice %arg2[%add3A_6] : memref<1000000xf32, #tpu.memory_space<hbm>> -> memref<7824xf32, #tpu.memory_space<hbm>>
      %dma_start3A_132 = tpu.memref_slice %arg2[%add3A_6] : memref<1000000xf32, #tpu.memory_space<hbm>> -> memref<7824xf32, #tpu.memory_space<hbm>>
      tpu.enqueue_dma source(%dma_start3A_132 : memref<7824xf32, #tpu.memory_space<hbm>>) target(%arg7 : memref<7824xf32, #tpu.memory_space<vmem>>) target_semaphore(%arg13 : memref<!tpu.dma_semaphore, #tpu.memory_space<semaphore_mem>>)
    } else {
    }
    %convert_element_type3A_80 = arith.extui %eq3A_1 : i1 to i32
    %cond3A_81 = arith.constant 0 : i32
    %cond3A_82 = arith.cmpi ne, %convert_element_type3A_80, %cond3A_81 : i32
    scf.if %cond3A_82 {
      %dma_start3A_131 = arith.constant 0 : i32
      %dma_start3A_132 = tpu.memref_slice %arg7[%dma_start3A_131] : memref<7824xf32, #tpu.memory_space<vmem>> -> memref<6352xf32, #tpu.memory_space<vmem>>
      %dma_start3A_133 = tpu.memref_slice %arg2[%add3A_6] : memref<1000000xf32, #tpu.memory_space<hbm>> -> memref<6352xf32, #tpu.memory_space<hbm>>
      %dma_start3A_134 = arith.constant 0 : i32
      %dma_start3A_135 = tpu.memref_slice %arg7[%dma_start3A_134] : memref<7824xf32, #tpu.memory_space<vmem>> -> memref<6352xf32, #tpu.memory_space<vmem>>
      %dma_start3A_136 = tpu.memref_slice %arg2[%add3A_6] : memref<1000000xf32, #tpu.memory_space<hbm>> -> memref<6352xf32, #tpu.memory_space<hbm>>
      tpu.enqueue_dma source(%dma_start3A_136 : memref<6352xf32, #tpu.memory_space<hbm>>) target(%dma_start3A_135 : memref<6352xf32, #tpu.memory_space<vmem>>) target_semaphore(%arg13 : memref<!tpu.dma_semaphore, #tpu.memory_space<semaphore_mem>>)
    } else {
    }
    %dma_wait3A_83 = tpu.memref_slice %arg2[%add3A_44] : memref<1000000xf32, #tpu.memory_space<hbm>> -> memref<7824xf32, #tpu.memory_space<hbm>>
    %dma_wait3A_84 = tpu.memref_slice %arg2[%add3A_44] : memref<1000000xf32, #tpu.memory_space<hbm>> -> memref<7824xf32, #tpu.memory_space<hbm>>
    tpu.wait_dma2 semaphore(%arg12 : memref<!tpu.dma_semaphore, #tpu.memory_space<semaphore_mem>>) src(%dma_wait3A_84 : memref<7824xf32, #tpu.memory_space<hbm>>) dst(%arg6 : memref<7824xf32, #tpu.memory_space<vmem>>)
    %scan3A_85 = arith.constant 0 : i32
    %scan3A_86 = arith.constant 54 : i32
    %scan3A_87 = arith.addi %scan3A_85, %scan3A_86 : i32
    %scan3A_88 = arith.constant 1 : i32
    %scan3A_89:9 = scf.for %scan3A_131 = %scan3A_85 to %scan3A_87 step %scan3A_88 iter_args(%scan3A_132 = %add3A_77, %scan3A_133 = %broadcast_in_dim3A_4, %scan3A_134 = %broadcast_in_dim3A_4, %scan3A_135 = %broadcast_in_dim3A_4, %scan3A_136 = %broadcast_in_dim3A_4, %scan3A_137 = %broadcast_in_dim3A_4, %scan3A_138 = %broadcast_in_dim3A_4, %scan3A_139 = %broadcast_in_dim3A_4, %scan3A_140 = %broadcast_in_dim3A_4) -> (vector<16xf32>, vector<16xf32>, vector<16xf32>, vector<16xf32>, vector<16xf32>, vector<16xf32>, vector<16xf32>, vector<16xf32>, vector<16xf32>)  : i32 {
      %mul3A_141 = arith.constant 9 : i32
      %mul3A_142 = arith.muli %scan3A_131, %mul3A_141 : i32
      %add3A_143 = arith.constant 0 : i32
      %add3A_144 = arith.addi %mul3A_142, %add3A_143 : i32
      %mul3A_145 = arith.constant 16 : i32
      %mul3A_146 = arith.muli %add3A_144, %mul3A_145 : i32
      %get3A_147 = arith.index_cast %mul3A_146 : i32 to index
      %get3A_148 = tpu.vector_load %arg6[%get3A_147] {strides = array<i32>} : memref<7824xf32, #tpu.memory_space<vmem>>, vector<16xf32>,
      %get3A_149 = vector.shape_cast %get3A_148 : vector<16xf32> to vector<16xf32>
      %exp3A_150 = math.exp %get3A_149 : vector<16xf32>
      %add3A_151 = arith.addf %scan3A_132, %exp3A_150 : vector<16xf32>
      %mul3A_152 = arith.constant 9 : i32
      %mul3A_153 = arith.muli %scan3A_131, %mul3A_152 : i32
      %add3A_154 = arith.constant 1 : i32
      %add3A_155 = arith.addi %mul3A_153, %add3A_154 : i32
      %mul3A_156 = arith.constant 16 : i32
      %mul3A_157 = arith.muli %add3A_155, %mul3A_156 : i32
      %get3A_158 = arith.index_cast %mul3A_157 : i32 to index
      %get3A_159 = tpu.vector_load %arg6[%get3A_158] {strides = array<i32>} : memref<7824xf32, #tpu.memory_space<vmem>>, vector<16xf32>,
      %get3A_160 = vector.shape_cast %get3A_159 : vector<16xf32> to vector<16xf32>
      %exp3A_161 = math.exp %get3A_160 : vector<16xf32>
      %add3A_162 = arith.addf %scan3A_133, %exp3A_161 : vector<16xf32>
      %mul3A_163 = arith.constant 9 : i32
      %mul3A_164 = arith.muli %scan3A_131, %mul3A_163 : i32
      %add3A_165 = arith.constant 2 : i32
      %add3A_166 = arith.addi %mul3A_164, %add3A_165 : i32
      %mul3A_167 = arith.constant 16 : i32
      %mul3A_168 = arith.muli %add3A_166, %mul3A_167 : i32
      %get3A_169 = arith.index_cast %mul3A_168 : i32 to index
      %get3A_170 = tpu.vector_load %arg6[%get3A_169] {strides = array<i32>} : memref<7824xf32, #tpu.memory_space<vmem>>, vector<16xf32>,
      %get3A_171 = vector.shape_cast %get3A_170 : vector<16xf32> to vector<16xf32>
      %exp3A_172 = math.exp %get3A_171 : vector<16xf32>
      %add3A_173 = arith.addf %scan3A_134, %exp3A_172 : vector<16xf32>
      %mul3A_174 = arith.constant 9 : i32
      %mul3A_175 = arith.muli %scan3A_131, %mul3A_174 : i32
      %add3A_176 = arith.constant 3 : i32
      %add3A_177 = arith.addi %mul3A_175, %add3A_176 : i32
      %mul3A_178 = arith.constant 16 : i32
      %mul3A_179 = arith.muli %add3A_177, %mul3A_178 : i32
      %get3A_180 = arith.index_cast %mul3A_179 : i32 to index
      %get3A_181 = tpu.vector_load %arg6[%get3A_180] {strides = array<i32>} : memref<7824xf32, #tpu.memory_space<vmem>>, vector<16xf32>,
      %get3A_182 = vector.shape_cast %get3A_181 : vector<16xf32> to vector<16xf32>
      %exp3A_183 = math.exp %get3A_182 : vector<16xf32>
      %add3A_184 = arith.addf %scan3A_135, %exp3A_183 : vector<16xf32>
      %mul3A_185 = arith.constant 9 : i32
      %mul3A_186 = arith.muli %scan3A_131, %mul3A_185 : i32
      %add3A_187 = arith.constant 4 : i32
      %add3A_188 = arith.addi %mul3A_186, %add3A_187 : i32
      %mul3A_189 = arith.constant 16 : i32
      %mul3A_190 = arith.muli %add3A_188, %mul3A_189 : i32
      %get3A_191 = arith.index_cast %mul3A_190 : i32 to index
      %get3A_192 = tpu.vector_load %arg6[%get3A_191] {strides = array<i32>} : memref<7824xf32, #tpu.memory_space<vmem>>, vector<16xf32>,
      %get3A_193 = vector.shape_cast %get3A_192 : vector<16xf32> to vector<16xf32>
      %exp3A_194 = math.exp %get3A_193 : vector<16xf32>
      %add3A_195 = arith.addf %scan3A_136, %exp3A_194 : vector<16xf32>
      %mul3A_196 = arith.constant 9 : i32
      %mul3A_197 = arith.muli %scan3A_131, %mul3A_196 : i32
      %add3A_198 = arith.constant 5 : i32
      %add3A_199 = arith.addi %mul3A_197, %add3A_198 : i32
      %mul3A_200 = arith.constant 16 : i32
      %mul3A_201 = arith.muli %add3A_199, %mul3A_200 : i32
      %get3A_202 = arith.index_cast %mul3A_201 : i32 to index
      %get3A_203 = tpu.vector_load %arg6[%get3A_202] {strides = array<i32>} : memref<7824xf32, #tpu.memory_space<vmem>>, vector<16xf32>,
      %get3A_204 = vector.shape_cast %get3A_203 : vector<16xf32> to vector<16xf32>
      %exp3A_205 = math.exp %get3A_204 : vector<16xf32>
      %add3A_206 = arith.addf %scan3A_137, %exp3A_205 : vector<16xf32>
      %mul3A_207 = arith.constant 9 : i32
      %mul3A_208 = arith.muli %scan3A_131, %mul3A_207 : i32
      %add3A_209 = arith.constant 6 : i32
      %add3A_210 = arith.addi %mul3A_208, %add3A_209 : i32
      %mul3A_211 = arith.constant 16 : i32
      %mul3A_212 = arith.muli %add3A_210, %mul3A_211 : i32
      %get3A_213 = arith.index_cast %mul3A_212 : i32 to index
      %get3A_214 = tpu.vector_load %arg6[%get3A_213] {strides = array<i32>} : memref<7824xf32, #tpu.memory_space<vmem>>, vector<16xf32>,
      %get3A_215 = vector.shape_cast %get3A_214 : vector<16xf32> to vector<16xf32>
      %exp3A_216 = math.exp %get3A_215 : vector<16xf32>
      %add3A_217 = arith.addf %scan3A_138, %exp3A_216 : vector<16xf32>
      %mul3A_218 = arith.constant 9 : i32
      %mul3A_219 = arith.muli %scan3A_131, %mul3A_218 : i32
      %add3A_220 = arith.constant 7 : i32
      %add3A_221 = arith.addi %mul3A_219, %add3A_220 : i32
      %mul3A_222 = arith.constant 16 : i32
      %mul3A_223 = arith.muli %add3A_221, %mul3A_222 : i32
      %get3A_224 = arith.index_cast %mul3A_223 : i32 to index
      %get3A_225 = tpu.vector_load %arg6[%get3A_224] {strides = array<i32>} : memref<7824xf32, #tpu.memory_space<vmem>>, vector<16xf32>,
      %get3A_226 = vector.shape_cast %get3A_225 : vector<16xf32> to vector<16xf32>
      %exp3A_227 = math.exp %get3A_226 : vector<16xf32>
      %add3A_228 = arith.addf %scan3A_139, %exp3A_227 : vector<16xf32>
      %mul3A_229 = arith.constant 9 : i32
      %mul3A_230 = arith.muli %scan3A_131, %mul3A_229 : i32
      %add3A_231 = arith.constant 8 : i32
      %add3A_232 = arith.addi %mul3A_230, %add3A_231 : i32
      %mul3A_233 = arith.constant 16 : i32
      %mul3A_234 = arith.muli %add3A_232, %mul3A_233 : i32
      %get3A_235 = arith.index_cast %mul3A_234 : i32 to index
      %get3A_236 = tpu.vector_load %arg6[%get3A_235] {strides = array<i32>} : memref<7824xf32, #tpu.memory_space<vmem>>, vector<16xf32>,
      %get3A_237 = vector.shape_cast %get3A_236 : vector<16xf32> to vector<16xf32>
      %exp3A_238 = math.exp %get3A_237 : vector<16xf32>
      %add3A_239 = arith.addf %scan3A_140, %exp3A_238 : vector<16xf32>
      scf.yield %add3A_151, %add3A_162, %add3A_173, %add3A_184, %add3A_195, %add3A_206, %add3A_217, %add3A_228, %add3A_239 : vector<16xf32>, vector<16xf32>, vector<16xf32>, vector<16xf32>, vector<16xf32>, vector<16xf32>, vector<16xf32>, vector<16xf32>, vector<16xf32>
    }
    %scan3A_90 = arith.constant 54 : i32
    %add3A_91 = arith.addf %scan3A_89#0, %scan3A_89#1 : vector<16xf32>
    %add3A_92 = arith.addf %add3A_91, %scan3A_89#2 : vector<16xf32>
    %add3A_93 = arith.addf %add3A_92, %scan3A_89#3 : vector<16xf32>
    %add3A_94 = arith.addf %add3A_93, %scan3A_89#4 : vector<16xf32>
    %add3A_95 = arith.addf %add3A_94, %scan3A_89#5 : vector<16xf32>
    %add3A_96 = arith.addf %add3A_95, %scan3A_89#6 : vector<16xf32>
    %add3A_97 = arith.addf %add3A_96, %scan3A_89#7 : vector<16xf32>
    %add3A_98 = arith.addf %add3A_97, %scan3A_89#8 : vector<16xf32>
    %get3A_99 = arith.constant 7776 : index
    %get3A_100 = tpu.vector_load %arg6[%get3A_99] {strides = array<i32>} : memref<7824xf32, #tpu.memory_space<vmem>>, vector<16xf32>,
    %get3A_101 = vector.shape_cast %get3A_100 : vector<16xf32> to vector<16xf32>
    %exp3A_102 = math.exp %get3A_101 : vector<16xf32>
    %add3A_103 = arith.addf %add3A_98, %exp3A_102 : vector<16xf32>
    %get3A_104 = arith.constant 7792 : index
    %get3A_105 = tpu.vector_load %arg6[%get3A_104] {strides = array<i32>} : memref<7824xf32, #tpu.memory_space<vmem>>, vector<16xf32>,
    %get3A_106 = vector.shape_cast %get3A_105 : vector<16xf32> to vector<16xf32>
    %exp3A_107 = math.exp %get3A_106 : vector<16xf32>
    %add3A_108 = arith.addf %add3A_103, %exp3A_107 : vector<16xf32>
    %get3A_109 = arith.constant 7808 : index
    %get3A_110 = tpu.vector_load %arg6[%get3A_109] {strides = array<i32>} : memref<7824xf32, #tpu.memory_space<vmem>>, vector<16xf32>,
    %get3A_111 = vector.shape_cast %get3A_110 : vector<16xf32> to vector<16xf32>
    %exp3A_112 = math.exp %get3A_111 : vector<16xf32>
    %add3A_113 = arith.addf %add3A_108, %exp3A_112 : vector<16xf32>
    %swap3A = arith.constant 0 : index
    %swap3A_114 = tpu.vector_load %arg10[%swap3A] {strides = array<i32>} : memref<16xf32, #tpu.memory_space<vmem>>, vector<16xf32>,
    %swap3A_115 = vector.shape_cast %swap3A_114 : vector<16xf32> to vector<16xf32>
    %swap3A_116 = vector.shape_cast %add3A_113 : vector<16xf32> to vector<16xf32>
    tpu.vector_store %arg10[%swap3A], %swap3A_116 {strides = array<i32>} : memref<16xf32, #tpu.memory_space<vmem>>, vector<16xf32>,
    %not3A_117 = arith.constant true
    %not3A_118 = arith.xori %eq3A_1, %not3A_117 : i1
    %convert_element_type3A_119 = arith.extui %not3A_118 : i1 to i32
    %cond3A_120 = arith.constant 0 : i32
    %cond3A_121 = arith.cmpi ne, %convert_element_type3A_119, %cond3A_120 : i32
    scf.if %cond3A_121 {
      %dma_wait3A_131 = tpu.memref_slice %arg2[%add3A_6] : memref<1000000xf32, #tpu.memory_space<hbm>> -> memref<7824xf32, #tpu.memory_space<hbm>>
      %dma_wait3A_132 = tpu.memref_slice %arg2[%add3A_6] : memref<1000000xf32, #tpu.memory_space<hbm>> -> memref<7824xf32, #tpu.memory_space<hbm>>
      tpu.wait_dma2 semaphore(%arg13 : memref<!tpu.dma_semaphore, #tpu.memory_space<semaphore_mem>>) src(%dma_wait3A_132 : memref<7824xf32, #tpu.memory_space<hbm>>) dst(%arg7 : memref<7824xf32, #tpu.memory_space<vmem>>)
      %get3A_133 = arith.constant 0 : index
      %get3A_134 = tpu.vector_load %arg10[%get3A_133] {strides = array<i32>} : memref<16xf32, #tpu.memory_space<vmem>>, vector<16xf32>,
      %get3A_135 = vector.shape_cast %get3A_134 : vector<16xf32> to vector<16xf32>
      %scan3A_136 = arith.constant 0 : i32
      %scan3A_137 = arith.constant 54 : i32
      %scan3A_138 = arith.addi %scan3A_136, %scan3A_137 : i32
      %scan3A_139 = arith.constant 1 : i32
      %scan3A_140:9 = scf.for %scan3A_169 = %scan3A_136 to %scan3A_138 step %scan3A_139 iter_args(%scan3A_170 = %get3A_135, %scan3A_171 = %broadcast_in_dim3A_4, %scan3A_172 = %broadcast_in_dim3A_4, %scan3A_173 = %broadcast_in_dim3A_4, %scan3A_174 = %broadcast_in_dim3A_4, %scan3A_175 = %broadcast_in_dim3A_4, %scan3A_176 = %broadcast_in_dim3A_4, %scan3A_177 = %broadcast_in_dim3A_4, %scan3A_178 = %broadcast_in_dim3A_4) -> (vector<16xf32>, vector<16xf32>, vector<16xf32>, vector<16xf32>, vector<16xf32>, vector<16xf32>, vector<16xf32>, vector<16xf32>, vector<16xf32>)  : i32 {
        %mul3A_179 = arith.constant 9 : i32
        %mul3A_180 = arith.muli %scan3A_169, %mul3A_179 : i32
        %add3A_181 = arith.constant 0 : i32
        %add3A_182 = arith.addi %mul3A_180, %add3A_181 : i32
        %mul3A_183 = arith.constant 16 : i32
        %mul3A_184 = arith.muli %add3A_182, %mul3A_183 : i32
        %get3A_185 = arith.index_cast %mul3A_184 : i32 to index
        %get3A_186 = tpu.vector_load %arg7[%get3A_185] {strides = array<i32>} : memref<7824xf32, #tpu.memory_space<vmem>>, vector<16xf32>,
        %get3A_187 = vector.shape_cast %get3A_186 : vector<16xf32> to vector<16xf32>
        %exp3A_188 = math.exp %get3A_187 : vector<16xf32>
        %add3A_189 = arith.addf %scan3A_170, %exp3A_188 : vector<16xf32>
        %mul3A_190 = arith.constant 9 : i32
        %mul3A_191 = arith.muli %scan3A_169, %mul3A_190 : i32
        %add3A_192 = arith.constant 1 : i32
        %add3A_193 = arith.addi %mul3A_191, %add3A_192 : i32
        %mul3A_194 = arith.constant 16 : i32
        %mul3A_195 = arith.muli %add3A_193, %mul3A_194 : i32
        %get3A_196 = arith.index_cast %mul3A_195 : i32 to index
        %get3A_197 = tpu.vector_load %arg7[%get3A_196] {strides = array<i32>} : memref<7824xf32, #tpu.memory_space<vmem>>, vector<16xf32>,
        %get3A_198 = vector.shape_cast %get3A_197 : vector<16xf32> to vector<16xf32>
        %exp3A_199 = math.exp %get3A_198 : vector<16xf32>
        %add3A_200 = arith.addf %scan3A_171, %exp3A_199 : vector<16xf32>
        %mul3A_201 = arith.constant 9 : i32
        %mul3A_202 = arith.muli %scan3A_169, %mul3A_201 : i32
        %add3A_203 = arith.constant 2 : i32
        %add3A_204 = arith.addi %mul3A_202, %add3A_203 : i32
        %mul3A_205 = arith.constant 16 : i32
        %mul3A_206 = arith.muli %add3A_204, %mul3A_205 : i32
        %get3A_207 = arith.index_cast %mul3A_206 : i32 to index
        %get3A_208 = tpu.vector_load %arg7[%get3A_207] {strides = array<i32>} : memref<7824xf32, #tpu.memory_space<vmem>>, vector<16xf32>,
        %get3A_209 = vector.shape_cast %get3A_208 : vector<16xf32> to vector<16xf32>
        %exp3A_210 = math.exp %get3A_209 : vector<16xf32>
        %add3A_211 = arith.addf %scan3A_172, %exp3A_210 : vector<16xf32>
        %mul3A_212 = arith.constant 9 : i32
        %mul3A_213 = arith.muli %scan3A_169, %mul3A_212 : i32
        %add3A_214 = arith.constant 3 : i32
        %add3A_215 = arith.addi %mul3A_213, %add3A_214 : i32
        %mul3A_216 = arith.constant 16 : i32
        %mul3A_217 = arith.muli %add3A_215, %mul3A_216 : i32
        %get3A_218 = arith.index_cast %mul3A_217 : i32 to index
        %get3A_219 = tpu.vector_load %arg7[%get3A_218] {strides = array<i32>} : memref<7824xf32, #tpu.memory_space<vmem>>, vector<16xf32>,
        %get3A_220 = vector.shape_cast %get3A_219 : vector<16xf32> to vector<16xf32>
        %exp3A_221 = math.exp %get3A_220 : vector<16xf32>
        %add3A_222 = arith.addf %scan3A_173, %exp3A_221 : vector<16xf32>
        %mul3A_223 = arith.constant 9 : i32
        %mul3A_224 = arith.muli %scan3A_169, %mul3A_223 : i32
        %add3A_225 = arith.constant 4 : i32
        %add3A_226 = arith.addi %mul3A_224, %add3A_225 : i32
        %mul3A_227 = arith.constant 16 : i32
        %mul3A_228 = arith.muli %add3A_226, %mul3A_227 : i32
        %get3A_229 = arith.index_cast %mul3A_228 : i32 to index
        %get3A_230 = tpu.vector_load %arg7[%get3A_229] {strides = array<i32>} : memref<7824xf32, #tpu.memory_space<vmem>>, vector<16xf32>,
        %get3A_231 = vector.shape_cast %get3A_230 : vector<16xf32> to vector<16xf32>
        %exp3A_232 = math.exp %get3A_231 : vector<16xf32>
        %add3A_233 = arith.addf %scan3A_174, %exp3A_232 : vector<16xf32>
        %mul3A_234 = arith.constant 9 : i32
        %mul3A_235 = arith.muli %scan3A_169, %mul3A_234 : i32
        %add3A_236 = arith.constant 5 : i32
        %add3A_237 = arith.addi %mul3A_235, %add3A_236 : i32
        %mul3A_238 = arith.constant 16 : i32
        %mul3A_239 = arith.muli %add3A_237, %mul3A_238 : i32
        %get3A_240 = arith.index_cast %mul3A_239 : i32 to index
        %get3A_241 = tpu.vector_load %arg7[%get3A_240] {strides = array<i32>} : memref<7824xf32, #tpu.memory_space<vmem>>, vector<16xf32>,
        %get3A_242 = vector.shape_cast %get3A_241 : vector<16xf32> to vector<16xf32>
        %exp3A_243 = math.exp %get3A_242 : vector<16xf32>
        %add3A_244 = arith.addf %scan3A_175, %exp3A_243 : vector<16xf32>
        %mul3A_245 = arith.constant 9 : i32
        %mul3A_246 = arith.muli %scan3A_169, %mul3A_245 : i32
        %add3A_247 = arith.constant 6 : i32
        %add3A_248 = arith.addi %mul3A_246, %add3A_247 : i32
        %mul3A_249 = arith.constant 16 : i32
        %mul3A_250 = arith.muli %add3A_248, %mul3A_249 : i32
        %get3A_251 = arith.index_cast %mul3A_250 : i32 to index
        %get3A_252 = tpu.vector_load %arg7[%get3A_251] {strides = array<i32>} : memref<7824xf32, #tpu.memory_space<vmem>>, vector<16xf32>,
        %get3A_253 = vector.shape_cast %get3A_252 : vector<16xf32> to vector<16xf32>
        %exp3A_254 = math.exp %get3A_253 : vector<16xf32>
        %add3A_255 = arith.addf %scan3A_176, %exp3A_254 : vector<16xf32>
        %mul3A_256 = arith.constant 9 : i32
        %mul3A_257 = arith.muli %scan3A_169, %mul3A_256 : i32
        %add3A_258 = arith.constant 7 : i32
        %add3A_259 = arith.addi %mul3A_257, %add3A_258 : i32
        %mul3A_260 = arith.constant 16 : i32
        %mul3A_261 = arith.muli %add3A_259, %mul3A_260 : i32
        %get3A_262 = arith.index_cast %mul3A_261 : i32 to index
        %get3A_263 = tpu.vector_load %arg7[%get3A_262] {strides = array<i32>} : memref<7824xf32, #tpu.memory_space<vmem>>, vector<16xf32>,
        %get3A_264 = vector.shape_cast %get3A_263 : vector<16xf32> to vector<16xf32>
        %exp3A_265 = math.exp %get3A_264 : vector<16xf32>
        %add3A_266 = arith.addf %scan3A_177, %exp3A_265 : vector<16xf32>
        %mul3A_267 = arith.constant 9 : i32
        %mul3A_268 = arith.muli %scan3A_169, %mul3A_267 : i32
        %add3A_269 = arith.constant 8 : i32
        %add3A_270 = arith.addi %mul3A_268, %add3A_269 : i32
        %mul3A_271 = arith.constant 16 : i32
        %mul3A_272 = arith.muli %add3A_270, %mul3A_271 : i32
        %get3A_273 = arith.index_cast %mul3A_272 : i32 to index
        %get3A_274 = tpu.vector_load %arg7[%get3A_273] {strides = array<i32>} : memref<7824xf32, #tpu.memory_space<vmem>>, vector<16xf32>,
        %get3A_275 = vector.shape_cast %get3A_274 : vector<16xf32> to vector<16xf32>
        %exp3A_276 = math.exp %get3A_275 : vector<16xf32>
        %add3A_277 = arith.addf %scan3A_178, %exp3A_276 : vector<16xf32>
        scf.yield %add3A_189, %add3A_200, %add3A_211, %add3A_222, %add3A_233, %add3A_244, %add3A_255, %add3A_266, %add3A_277 : vector<16xf32>, vector<16xf32>, vector<16xf32>, vector<16xf32>, vector<16xf32>, vector<16xf32>, vector<16xf32>, vector<16xf32>, vector<16xf32>
      }
      %scan3A_141 = arith.constant 54 : i32
      %add3A_142 = arith.addf %scan3A_140#0, %scan3A_140#1 : vector<16xf32>
      %add3A_143 = arith.addf %add3A_142, %scan3A_140#2 : vector<16xf32>
      %add3A_144 = arith.addf %add3A_143, %scan3A_140#3 : vector<16xf32>
      %add3A_145 = arith.addf %add3A_144, %scan3A_140#4 : vector<16xf32>
      %add3A_146 = arith.addf %add3A_145, %scan3A_140#5 : vector<16xf32>
      %add3A_147 = arith.addf %add3A_146, %scan3A_140#6 : vector<16xf32>
      %add3A_148 = arith.addf %add3A_147, %scan3A_140#7 : vector<16xf32>
      %add3A_149 = arith.addf %add3A_148, %scan3A_140#8 : vector<16xf32>
      %get3A_150 = arith.constant 7776 : index
      %get3A_151 = tpu.vector_load %arg7[%get3A_150] {strides = array<i32>} : memref<7824xf32, #tpu.memory_space<vmem>>, vector<16xf32>,
      %get3A_152 = vector.shape_cast %get3A_151 : vector<16xf32> to vector<16xf32>
      %exp3A_153 = math.exp %get3A_152 : vector<16xf32>
      %add3A_154 = arith.addf %add3A_149, %exp3A_153 : vector<16xf32>
      %get3A_155 = arith.constant 7792 : index
      %get3A_156 = tpu.vector_load %arg7[%get3A_155] {strides = array<i32>} : memref<7824xf32, #tpu.memory_space<vmem>>, vector<16xf32>,
      %get3A_157 = vector.shape_cast %get3A_156 : vector<16xf32> to vector<16xf32>
      %exp3A_158 = math.exp %get3A_157 : vector<16xf32>
      %add3A_159 = arith.addf %add3A_154, %exp3A_158 : vector<16xf32>
      %get3A_160 = arith.constant 7808 : index
      %get3A_161 = tpu.vector_load %arg7[%get3A_160] {strides = array<i32>} : memref<7824xf32, #tpu.memory_space<vmem>>, vector<16xf32>,
      %get3A_162 = vector.shape_cast %get3A_161 : vector<16xf32> to vector<16xf32>
      %exp3A_163 = math.exp %get3A_162 : vector<16xf32>
      %add3A_164 = arith.addf %add3A_159, %exp3A_163 : vector<16xf32>
      %swap3A_165 = arith.constant 0 : index
      %swap3A_166 = tpu.vector_load %arg10[%swap3A_165] {strides = array<i32>} : memref<16xf32, #tpu.memory_space<vmem>>, vector<16xf32>,
      %swap3A_167 = vector.shape_cast %swap3A_166 : vector<16xf32> to vector<16xf32>
      %swap3A_168 = vector.shape_cast %add3A_164 : vector<16xf32> to vector<16xf32>
      tpu.vector_store %arg10[%swap3A_165], %swap3A_168 {strides = array<i32>} : memref<16xf32, #tpu.memory_space<vmem>>, vector<16xf32>,
    } else {
    }
    %convert_element_type3A_122 = arith.extui %eq3A_1 : i1 to i32
    %cond3A_123 = arith.constant 0 : i32
    %cond3A_124 = arith.cmpi ne, %convert_element_type3A_122, %cond3A_123 : i32
    scf.if %cond3A_124 {
      %dma_wait3A_131 = arith.constant 0 : i32
      %dma_wait3A_132 = tpu.memref_slice %arg7[%dma_wait3A_131] : memref<7824xf32, #tpu.memory_space<vmem>> -> memref<6352xf32, #tpu.memory_space<vmem>>
      %dma_wait3A_133 = tpu.memref_slice %arg2[%add3A_6] : memref<1000000xf32, #tpu.memory_space<hbm>> -> memref<6352xf32, #tpu.memory_space<hbm>>
      %dma_wait3A_134 = arith.constant 0 : i32
      %dma_wait3A_135 = tpu.memref_slice %arg7[%dma_wait3A_134] : memref<7824xf32, #tpu.memory_space<vmem>> -> memref<6352xf32, #tpu.memory_space<vmem>>
      %dma_wait3A_136 = tpu.memref_slice %arg2[%add3A_6] : memref<1000000xf32, #tpu.memory_space<hbm>> -> memref<6352xf32, #tpu.memory_space<hbm>>
      tpu.wait_dma2 semaphore(%arg13 : memref<!tpu.dma_semaphore, #tpu.memory_space<semaphore_mem>>) src(%dma_wait3A_136 : memref<6352xf32, #tpu.memory_space<hbm>>) dst(%dma_wait3A_135 : memref<6352xf32, #tpu.memory_space<vmem>>)
      %get3A_137 = arith.constant 0 : index
      %get3A_138 = tpu.vector_load %arg10[%get3A_137] {strides = array<i32>} : memref<16xf32, #tpu.memory_space<vmem>>, vector<16xf32>,
      %get3A_139 = vector.shape_cast %get3A_138 : vector<16xf32> to vector<16xf32>
      %scan3A_140 = arith.constant 0 : i32
      %scan3A_141 = arith.constant 44 : i32
      %scan3A_142 = arith.addi %scan3A_140, %scan3A_141 : i32
      %scan3A_143 = arith.constant 1 : i32
      %scan3A_144:9 = scf.for %scan3A_163 = %scan3A_140 to %scan3A_142 step %scan3A_143 iter_args(%scan3A_164 = %get3A_139, %scan3A_165 = %broadcast_in_dim3A_4, %scan3A_166 = %broadcast_in_dim3A_4, %scan3A_167 = %broadcast_in_dim3A_4, %scan3A_168 = %broadcast_in_dim3A_4, %scan3A_169 = %broadcast_in_dim3A_4, %scan3A_170 = %broadcast_in_dim3A_4, %scan3A_171 = %broadcast_in_dim3A_4, %scan3A_172 = %broadcast_in_dim3A_4) -> (vector<16xf32>, vector<16xf32>, vector<16xf32>, vector<16xf32>, vector<16xf32>, vector<16xf32>, vector<16xf32>, vector<16xf32>, vector<16xf32>)  : i32 {
        %mul3A_173 = arith.constant 9 : i32
        %mul3A_174 = arith.muli %scan3A_163, %mul3A_173 : i32
        %add3A_175 = arith.constant 0 : i32
        %add3A_176 = arith.addi %mul3A_174, %add3A_175 : i32
        %mul3A_177 = arith.constant 16 : i32
        %mul3A_178 = arith.muli %add3A_176, %mul3A_177 : i32
        %get3A_179 = arith.index_cast %mul3A_178 : i32 to index
        %get3A_180 = tpu.vector_load %arg7[%get3A_179] {strides = array<i32>} : memref<7824xf32, #tpu.memory_space<vmem>>, vector<16xf32>,
        %get3A_181 = vector.shape_cast %get3A_180 : vector<16xf32> to vector<16xf32>
        %exp3A_182 = math.exp %get3A_181 : vector<16xf32>
        %add3A_183 = arith.addf %scan3A_164, %exp3A_182 : vector<16xf32>
        %mul3A_184 = arith.constant 9 : i32
        %mul3A_185 = arith.muli %scan3A_163, %mul3A_184 : i32
        %add3A_186 = arith.constant 1 : i32
        %add3A_187 = arith.addi %mul3A_185, %add3A_186 : i32
        %mul3A_188 = arith.constant 16 : i32
        %mul3A_189 = arith.muli %add3A_187, %mul3A_188 : i32
        %get3A_190 = arith.index_cast %mul3A_189 : i32 to index
        %get3A_191 = tpu.vector_load %arg7[%get3A_190] {strides = array<i32>} : memref<7824xf32, #tpu.memory_space<vmem>>, vector<16xf32>,
        %get3A_192 = vector.shape_cast %get3A_191 : vector<16xf32> to vector<16xf32>
        %exp3A_193 = math.exp %get3A_192 : vector<16xf32>
        %add3A_194 = arith.addf %scan3A_165, %exp3A_193 : vector<16xf32>
        %mul3A_195 = arith.constant 9 : i32
        %mul3A_196 = arith.muli %scan3A_163, %mul3A_195 : i32
        %add3A_197 = arith.constant 2 : i32
        %add3A_198 = arith.addi %mul3A_196, %add3A_197 : i32
        %mul3A_199 = arith.constant 16 : i32
        %mul3A_200 = arith.muli %add3A_198, %mul3A_199 : i32
        %get3A_201 = arith.index_cast %mul3A_200 : i32 to index
        %get3A_202 = tpu.vector_load %arg7[%get3A_201] {strides = array<i32>} : memref<7824xf32, #tpu.memory_space<vmem>>, vector<16xf32>,
        %get3A_203 = vector.shape_cast %get3A_202 : vector<16xf32> to vector<16xf32>
        %exp3A_204 = math.exp %get3A_203 : vector<16xf32>
        %add3A_205 = arith.addf %scan3A_166, %exp3A_204 : vector<16xf32>
        %mul3A_206 = arith.constant 9 : i32
        %mul3A_207 = arith.muli %scan3A_163, %mul3A_206 : i32
        %add3A_208 = arith.constant 3 : i32
        %add3A_209 = arith.addi %mul3A_207, %add3A_208 : i32
        %mul3A_210 = arith.constant 16 : i32
        %mul3A_211 = arith.muli %add3A_209, %mul3A_210 : i32
        %get3A_212 = arith.index_cast %mul3A_211 : i32 to index
        %get3A_213 = tpu.vector_load %arg7[%get3A_212] {strides = array<i32>} : memref<7824xf32, #tpu.memory_space<vmem>>, vector<16xf32>,
        %get3A_214 = vector.shape_cast %get3A_213 : vector<16xf32> to vector<16xf32>
        %exp3A_215 = math.exp %get3A_214 : vector<16xf32>
        %add3A_216 = arith.addf %scan3A_167, %exp3A_215 : vector<16xf32>
        %mul3A_217 = arith.constant 9 : i32
        %mul3A_218 = arith.muli %scan3A_163, %mul3A_217 : i32
        %add3A_219 = arith.constant 4 : i32
        %add3A_220 = arith.addi %mul3A_218, %add3A_219 : i32
        %mul3A_221 = arith.constant 16 : i32
        %mul3A_222 = arith.muli %add3A_220, %mul3A_221 : i32
        %get3A_223 = arith.index_cast %mul3A_222 : i32 to index
        %get3A_224 = tpu.vector_load %arg7[%get3A_223] {strides = array<i32>} : memref<7824xf32, #tpu.memory_space<vmem>>, vector<16xf32>,
        %get3A_225 = vector.shape_cast %get3A_224 : vector<16xf32> to vector<16xf32>
        %exp3A_226 = math.exp %get3A_225 : vector<16xf32>
        %add3A_227 = arith.addf %scan3A_168, %exp3A_226 : vector<16xf32>
        %mul3A_228 = arith.constant 9 : i32
        %mul3A_229 = arith.muli %scan3A_163, %mul3A_228 : i32
        %add3A_230 = arith.constant 5 : i32
        %add3A_231 = arith.addi %mul3A_229, %add3A_230 : i32
        %mul3A_232 = arith.constant 16 : i32
        %mul3A_233 = arith.muli %add3A_231, %mul3A_232 : i32
        %get3A_234 = arith.index_cast %mul3A_233 : i32 to index
        %get3A_235 = tpu.vector_load %arg7[%get3A_234] {strides = array<i32>} : memref<7824xf32, #tpu.memory_space<vmem>>, vector<16xf32>,
        %get3A_236 = vector.shape_cast %get3A_235 : vector<16xf32> to vector<16xf32>
        %exp3A_237 = math.exp %get3A_236 : vector<16xf32>
        %add3A_238 = arith.addf %scan3A_169, %exp3A_237 : vector<16xf32>
        %mul3A_239 = arith.constant 9 : i32
        %mul3A_240 = arith.muli %scan3A_163, %mul3A_239 : i32
        %add3A_241 = arith.constant 6 : i32
        %add3A_242 = arith.addi %mul3A_240, %add3A_241 : i32
        %mul3A_243 = arith.constant 16 : i32
        %mul3A_244 = arith.muli %add3A_242, %mul3A_243 : i32
        %get3A_245 = arith.index_cast %mul3A_244 : i32 to index
        %get3A_246 = tpu.vector_load %arg7[%get3A_245] {strides = array<i32>} : memref<7824xf32, #tpu.memory_space<vmem>>, vector<16xf32>,
        %get3A_247 = vector.shape_cast %get3A_246 : vector<16xf32> to vector<16xf32>
        %exp3A_248 = math.exp %get3A_247 : vector<16xf32>
        %add3A_249 = arith.addf %scan3A_170, %exp3A_248 : vector<16xf32>
        %mul3A_250 = arith.constant 9 : i32
        %mul3A_251 = arith.muli %scan3A_163, %mul3A_250 : i32
        %add3A_252 = arith.constant 7 : i32
        %add3A_253 = arith.addi %mul3A_251, %add3A_252 : i32
        %mul3A_254 = arith.constant 16 : i32
        %mul3A_255 = arith.muli %add3A_253, %mul3A_254 : i32
        %get3A_256 = arith.index_cast %mul3A_255 : i32 to index
        %get3A_257 = tpu.vector_load %arg7[%get3A_256] {strides = array<i32>} : memref<7824xf32, #tpu.memory_space<vmem>>, vector<16xf32>,
        %get3A_258 = vector.shape_cast %get3A_257 : vector<16xf32> to vector<16xf32>
        %exp3A_259 = math.exp %get3A_258 : vector<16xf32>
        %add3A_260 = arith.addf %scan3A_171, %exp3A_259 : vector<16xf32>
        %mul3A_261 = arith.constant 9 : i32
        %mul3A_262 = arith.muli %scan3A_163, %mul3A_261 : i32
        %add3A_263 = arith.constant 8 : i32
        %add3A_264 = arith.addi %mul3A_262, %add3A_263 : i32
        %mul3A_265 = arith.constant 16 : i32
        %mul3A_266 = arith.muli %add3A_264, %mul3A_265 : i32
        %get3A_267 = arith.index_cast %mul3A_266 : i32 to index
        %get3A_268 = tpu.vector_load %arg7[%get3A_267] {strides = array<i32>} : memref<7824xf32, #tpu.memory_space<vmem>>, vector<16xf32>,
        %get3A_269 = vector.shape_cast %get3A_268 : vector<16xf32> to vector<16xf32>
        %exp3A_270 = math.exp %get3A_269 : vector<16xf32>
        %add3A_271 = arith.addf %scan3A_172, %exp3A_270 : vector<16xf32>
        scf.yield %add3A_183, %add3A_194, %add3A_205, %add3A_216, %add3A_227, %add3A_238, %add3A_249, %add3A_260, %add3A_271 : vector<16xf32>, vector<16xf32>, vector<16xf32>, vector<16xf32>, vector<16xf32>, vector<16xf32>, vector<16xf32>, vector<16xf32>, vector<16xf32>
      }
      %scan3A_145 = arith.constant 44 : i32
      %add3A_146 = arith.addf %scan3A_144#0, %scan3A_144#1 : vector<16xf32>
      %add3A_147 = arith.addf %add3A_146, %scan3A_144#2 : vector<16xf32>
      %add3A_148 = arith.addf %add3A_147, %scan3A_144#3 : vector<16xf32>
      %add3A_149 = arith.addf %add3A_148, %scan3A_144#4 : vector<16xf32>
      %add3A_150 = arith.addf %add3A_149, %scan3A_144#5 : vector<16xf32>
      %add3A_151 = arith.addf %add3A_150, %scan3A_144#6 : vector<16xf32>
      %add3A_152 = arith.addf %add3A_151, %scan3A_144#7 : vector<16xf32>
      %add3A_153 = arith.addf %add3A_152, %scan3A_144#8 : vector<16xf32>
      %get3A_154 = arith.constant 6336 : index
      %get3A_155 = tpu.vector_load %arg7[%get3A_154] {strides = array<i32>} : memref<7824xf32, #tpu.memory_space<vmem>>, vector<16xf32>,
      %get3A_156 = vector.shape_cast %get3A_155 : vector<16xf32> to vector<16xf32>
      %exp3A_157 = math.exp %get3A_156 : vector<16xf32>
      %add3A_158 = arith.addf %add3A_153, %exp3A_157 : vector<16xf32>
      %swap3A_159 = arith.constant 0 : index
      %swap3A_160 = tpu.vector_load %arg10[%swap3A_159] {strides = array<i32>} : memref<16xf32, #tpu.memory_space<vmem>>, vector<16xf32>,
      %swap3A_161 = vector.shape_cast %swap3A_160 : vector<16xf32> to vector<16xf32>
      %swap3A_162 = vector.shape_cast %add3A_158 : vector<16xf32> to vector<16xf32>
      tpu.vector_store %arg10[%swap3A_159], %swap3A_162 {strides = array<i32>} : memref<16xf32, #tpu.memory_space<vmem>>, vector<16xf32>,
    } else {
    }
    %mul3A_125 = arith.constant 16 : i32
    %mul3A_126 = arith.muli %add3A, %mul3A_125 : i32
    "tpu.region"() ({
      %run_scoped3A = tpu.sem_alloc : memref<!tpu.dma_semaphore, #tpu.memory_space<semaphore_mem>>
      %dma_start3A_131 = tpu.memref_slice %arg5[%mul3A_126] : memref<512xf32, #tpu.memory_space<hbm>> -> memref<16xf32, #tpu.memory_space<hbm>>
      %dma_start3A_132 = tpu.memref_slice %arg5[%mul3A_126] : memref<512xf32, #tpu.memory_space<hbm>> -> memref<16xf32, #tpu.memory_space<hbm>>
      tpu.enqueue_dma source(%arg10 : memref<16xf32, #tpu.memory_space<vmem>>) target(%dma_start3A_132 : memref<16xf32, #tpu.memory_space<hbm>>) target_semaphore(%run_scoped3A : memref<!tpu.dma_semaphore, #tpu.memory_space<semaphore_mem>>)
      %dma_wait3A_133 = tpu.memref_slice %arg5[%mul3A_126] : memref<512xf32, #tpu.memory_space<hbm>> -> memref<16xf32, #tpu.memory_space<hbm>>
      %dma_wait3A_134 = tpu.memref_slice %arg5[%mul3A_126] : memref<512xf32, #tpu.memory_space<hbm>> -> memref<16xf32, #tpu.memory_space<hbm>>
      tpu.wait_dma2 semaphore(%run_scoped3A : memref<!tpu.dma_semaphore, #tpu.memory_space<semaphore_mem>>) src(%arg10 : memref<16xf32, #tpu.memory_space<vmem>>) dst(%dma_wait3A_134 : memref<16xf32, #tpu.memory_space<hbm>>)
      tpu.yield
    }) : () -> ()
    %dma_wait3A_127 = arith.constant 0 : i32
    %dma_wait3A_128 = tpu.memref_slice %arg2[%dma_wait3A_127] : memref<1000000xf32, #tpu.memory_space<hbm>> -> memref<1000000xf32, #tpu.memory_space<hbm>>
    tpu.wait_indirect_dma semaphore(%arg11 : memref<!tpu.dma_semaphore, #tpu.memory_space<semaphore_mem>>) src(%dma_wait3A_128 : memref<1000000xf32, #tpu.memory_space<hbm>>) dst(%arg9 : memref<512xf32, #tpu.memory_space<vmem>>)
    %mul3A_129 = arith.constant 512 : i32
    %mul3A_130 = arith.muli %add3A, %mul3A_129 : i32
    "tpu.region"() ({
      %run_scoped3A = tpu.sem_alloc : memref<!tpu.dma_semaphore, #tpu.memory_space<semaphore_mem>>
      %dma_start3A_131 = tpu.memref_slice %arg4[%mul3A_130] : memref<16384xf32, #tpu.memory_space<hbm>> -> memref<512xf32, #tpu.memory_space<hbm>>
      %dma_start3A_132 = tpu.memref_slice %arg4[%mul3A_130] : memref<16384xf32, #tpu.memory_space<hbm>> -> memref<512xf32, #tpu.memory_space<hbm>>
      tpu.enqueue_dma source(%arg9 : memref<512xf32, #tpu.memory_space<vmem>>) target(%dma_start3A_132 : memref<512xf32, #tpu.memory_space<hbm>>) target_semaphore(%run_scoped3A : memref<!tpu.dma_semaphore, #tpu.memory_space<semaphore_mem>>)
      %dma_wait3A_133 = tpu.memref_slice %arg4[%mul3A_130] : memref<16384xf32, #tpu.memory_space<hbm>> -> memref<512xf32, #tpu.memory_space<hbm>>
      %dma_wait3A_134 = tpu.memref_slice %arg4[%mul3A_130] : memref<16384xf32, #tpu.memory_space<hbm>> -> memref<512xf32, #tpu.memory_space<hbm>>
      tpu.wait_dma2 semaphore(%run_scoped3A : memref<!tpu.dma_semaphore, #tpu.memory_space<semaphore_mem>>) src(%arg9 : memref<512xf32, #tpu.memory_space<vmem>>) dst(%dma_wait3A_134 : memref<512xf32, #tpu.memory_space<hbm>>)
      tpu.yield
    }) : () -> ()
    return
  }
}

module attributes {stable_mosaic.version = 14 : i64} {
  func.func @_fin_body(%arg0: memref<16384xf32, #tpu.memory_space<vmem>>, %arg1: memref<512xf32, #tpu.memory_space<vmem>>, %arg2: memref<16384xf32, #tpu.memory_space<vmem>>) attributes {dimension_semantics = [], scalar_prefetch = 0 : i64, scratch_operands = 0 : i64, tpu.core_type = #tpu.core_type<tc>} {
    %get3A = arith.constant 0 : index
    %get3A_0 = vector.load %arg1[%get3A] : memref<512xf32, #tpu.memory_space<vmem>>, vector<512xf32>
    %reduce_sum3A = vector.shape_cast %get3A_0 : vector<512xf32> to vector<1x512xf32>
    %reduce_sum3A_1 = arith.constant dense<0.000000e+00> : vector<1xf32>
    %reduce_sum3A_2 = vector.multi_reduction <add>, %reduce_sum3A, %reduce_sum3A_1 [1] : vector<1x512xf32> to vector<1xf32>
    %reduce_sum3A_3 = vector.shape_cast %reduce_sum3A_2 : vector<1xf32> to vector<1x1xf32>
    %reduce_sum3A_4 = vector.extract %reduce_sum3A_3[0, 0] : f32 from vector<1x1xf32>
    %get3A_5 = arith.constant 0 : index
    %get3A_6 = vector.load %arg0[%get3A_5] : memref<16384xf32, #tpu.memory_space<vmem>>, vector<16384xf32>
    %exp3A = math.exp %get3A_6 : vector<16384xf32>
    %div3A = arith.constant 1.000000e+00 : f32
    %div3A_7 = arith.divf %div3A, %reduce_sum3A_4 : f32
    %mul3A = vector.broadcast %div3A_7 : f32 to vector<16384xf32>
    %mul3A_8 = arith.mulf %exp3A, %mul3A : vector<16384xf32>
    %swap3A = arith.constant 0 : index
    %swap3A_9 = vector.load %arg2[%swap3A] : memref<16384xf32, #tpu.memory_space<vmem>>, vector<16384xf32>
    tpu.vector_store %arg2[%swap3A], %mul3A_8 {strides = array<i32>} : memref<16384xf32, #tpu.memory_space<vmem>>, vector<16384xf32>,
    return
  }
}

</mosaic_0001>

<sc_bundles>
// kernel: kernel.4.cloned.1.call-start
scs
__scs_entry_jumppad:
0x0: {  	(pc) =	sbr.rel $0x88, $3  }
0x1: {  	(tag) =	ssettag $0x0;
	lr =	simm.s32 $0x1  }
0x2: {  	[smem:$0x3F9F] =	sst lr;
	_ =	strace $0xD0000000  }
0x3: {  	_ = 	snop  }
0x4: {  	_ = 	snop  }
0x5: {  	_ = 	snop  }
0x6: {  	_ = 	snop  }
0x7: {  	_ = 	snop  }
__scs_overlays_trampoline_lowered:
0x8: {  	[smem:$0x3FAE] =	sst s0  }
0x9: {  	[smem:$0x3FAF] =	sst s1  }
0xa: {  	[smem:$0x3FB0] =	sst s2  }
0xb: {  	[smem:$0x3FB1] =	sst s3  }
0xc: {  	[smem:$0x3FB2] =	sst s4  }
0xd: {  	[smem:$0x3FB3] =	sst s5  }
0xe: {  	[smem:$0x3FB4] =	sst s6  }
0xf: {  	[smem:$0x3FB5] =	sst s7  }
0x10: {  	[smem:$0x3FB6] =	sst s8  }
0x11: {  	[smem:$0x3FB7] =	sst s9;
	s0 =	simm.s32 @!p0 $0x0  }
0x12: {  	s1 =	sld [smem:$0x3F9D];
	s0 =	simm.s32 @p0 $0x1  }
0x13: {  	[smem:$0x3FB8] =	sst s0;
	s0 =	simm.s32 @!p1 $0x0  }
0x14: {  	s2 =	sld [smem:$0x3F9C];
	s0 =	simm.s32 @p1 $0x1  }
0x15: {  	[smem:$0x3FB9] =	sst s0;
	s0 =	simm.s32 @!p2 $0x0  }
0x16: {  	s3 =	sld [smem:$0x3FDB];
	s0 =	simm.s32 @p2 $0x1  }
0x17: {  	s4 =	simm.s32 $0x1BF5;
	[smem:$0x3FBB] =	sst s0  }
0x18: {  	s0 =	sld [smem:$0x3F9E];
	_ =	swait.ge [sflag:s4], $0x0  }
0x19: {  	s7 =	sld [smem:$0x3F9F]  }
0x1a: {  	s8 =	sadd.s32 $0xFFFFE003, lr  }
0x1b: {  	s9 =	sadd.s32 $0xFFFFFEF7, lr;
	s5 =	simm.s32 $0xFFFFFFFF;
	p2 =	slt.u32 s8, $0xFFFFF086  }
0x1c: {  	p1 =	slt.u32 s9, $0xF7A;
	s5 =	simm.s32 @!p2 $0x0  }
0x1d: {  	s5 =	simm.s32 @p1 $0x1;
	p0 =	seq.s32 s7, s2  }
0x1e: {  	s7 =	smul.u32 @!p0 $0xF7A, s2;
	p2 =	seq.s32 @!p0 s5, $0x0  }
0x1f: {  	s9 =	smul.u32 $0xF7A, s1;
	s8 =	simm.s32 @!p0 $0x1BF5;
	p2 =	por !p2, p0  }
0x20: {  	[sflag:s8] =	ssyncset.s32 @!p0 $0xFFFFF086;
	s6 =	sadd.s32 @!p0 s3, s7;
	s7 =	simm.s32 @!p0 $0x108  }
0x21: {  	s3 =	sadd.s32 s3, s9;
	s6 =	sadd.s32 @!p0 $0x88, s6;
	s7 =	simm.s32 @p2 $0x1082  }
0x22: {  	[simem:s7], [sflag:s8] =	dma.local @!p0 [hbm:s6], $0xF7A  }
0x23: {  	s9 =	sor.u32 $0xD0000000, s2;
	s6 =	simm.s32 $0x108;
	_ =	swait.ge @!p0 [sflag:s8], $0x0  }
0x24: {  	s3 =	sadd.s32 $0x88, s3;
	s6 =	simm.s32 @!p1 $0x1082;
	[sflag:s4] =	ssyncset.s32 $0xFFFFF086  }
0x25: {  	[simem:s6], [sflag:s4] =	dma.local [hbm:s3], $0xF7A  }
0x26: {  	[smem:$0x3F9F] =	sst s1;
	(tag) =	ssettag s2;
	_ =	strace s9  }
0x27: {  	s1 =	sld [smem:$0x3FAF]  }
0x28: {  	s2 =	sld [smem:$0x3FB0]  }
0x29: {  	s4 =	sld [smem:$0x3FB2]  }
0x2a: {  	p0 =	seq.s32 s5, $0x0;
	s5 =	sld [smem:$0x3FB3]  }
0x2b: {  	s6 =	sld [smem:$0x3FB4]  }
0x2c: {  	s7 =	sld [smem:$0x3FB5]  }
0x2d: {  	s3 =	simm.s32 $0x108;
	s8 =	sld [smem:$0x3FB6]  }
0x2e: {  	s3 =	simm.s32 @!p0 $0x1082;
	s9 =	sld [smem:$0x3FB7]  }
0x2f: {  	lr =	sadd.s32 s0, s3;
	s0 =	sld [smem:$0x3FAE]  }
0x30: {  	s3 =	sld [smem:$0x3FB1]  }
0x31: {  	[smem:$0x3FBA] =	sst s10  }
0x32: {  	s10 =	sld [smem:$0x3FB8];
	_ =	sdelay $0x3  }
0x33: {  	p0 =	seq.s32 s10, $0x1;
	s10 =	sld [smem:$0x3FBA];
	_ =	sdelay $0x3  }
0x34: {  	[smem:$0x3FBA] =	sst s10  }
0x35: {  	s10 =	sld [smem:$0x3FB9];
	_ =	sdelay $0x3  }
0x36: {  	p1 =	seq.s32 s10, $0x1;
	s10 =	sld [smem:$0x3FBA];
	_ =	sdelay $0x3  }
0x37: {  	[smem:$0x3FBA] =	sst s10  }
0x38: {  	s10 =	sld [smem:$0x3FBB]  }
0x39: {  	_ = 	snop;
	(pc) =	sbr.ind lr, $3  }
0x3a: {  	_ = 	snop  }
0x3b: {  	_ = 	snop  }
0x3c: {  	p2 =	seq.s32 s10, $0x1;
	s10 =	sld [smem:$0x3FBA]  }
0x3d: {  	_ =	shalt  }
0x3e: {  	_ =	shalt  }
0x3f: {  	_ =	shalt  }
0x40: {  	_ =	shalt  }
0x41: {  	_ =	shalt  }
0x42: {  	_ =	shalt  }
0x43: {  	_ =	shalt  }
0x44: {  	_ =	shalt  }
0x45: {  	_ =	shalt  }
0x46: {  	_ =	shalt  }
0x47: {  	_ =	shalt  }
0x48: {  	_ =	shalt  }
0x49: {  	_ =	shalt  }
0x4a: {  	_ =	shalt  }
0x4b: {  	_ =	shalt  }
0x4c: {  	_ =	shalt  }
0x4d: {  	_ =	shalt  }
0x4e: {  	_ =	shalt  }
0x4f: {  	_ =	shalt  }
0x50: {  	_ =	shalt  }
0x51: {  	_ =	shalt  }
0x52: {  	_ =	shalt  }
0x53: {  	_ =	shalt  }
0x54: {  	_ =	shalt  }
0x55: {  	_ =	shalt  }
0x56: {  	_ =	shalt  }
0x57: {  	_ =	shalt  }
0x58: {  	_ =	shalt  }
0x59: {  	_ =	shalt  }
0x5a: {  	_ =	shalt  }
0x5b: {  	_ =	shalt  }
0x5c: {  	_ =	shalt  }
0x5d: {  	_ =	shalt  }
0x5e: {  	_ =	shalt  }
0x5f: {  	_ =	shalt  }
0x60: {  	_ =	shalt  }
0x61: {  	_ =	shalt  }
0x62: {  	_ =	shalt  }
0x63: {  	_ =	shalt  }
0x64: {  	_ =	shalt  }
0x65: {  	_ =	shalt  }
0x66: {  	_ =	shalt  }
0x67: {  	_ =	shalt  }
0x68: {  	_ =	shalt  }
0x69: {  	_ =	shalt  }
0x6a: {  	_ =	shalt  }
0x6b: {  	_ =	shalt  }
0x6c: {  	_ =	shalt  }
0x6d: {  	_ =	shalt  }
0x6e: {  	_ =	shalt  }
0x6f: {  	_ =	shalt  }
0x70: {  	_ =	shalt  }
0x71: {  	_ =	shalt  }
0x72: {  	_ =	shalt  }
0x73: {  	_ =	shalt  }
0x74: {  	_ =	shalt  }
0x75: {  	_ =	shalt  }
0x76: {  	_ =	shalt  }
0x77: {  	_ =	shalt  }
0x78: {  	_ =	shalt  }
0x79: {  	_ =	shalt  }
0x7a: {  	_ =	shalt  }
0x7b: {  	_ =	shalt  }
0x7c: {  	_ =	shalt  }
0x7d: {  	_ =	shalt  }
0x7e: {  	_ =	shalt  }
0x7f: {  	_ =	shalt  }
0x80: {  	_ =	shalt  }
0x81: {  	_ =	shalt  }
0x82: {  	_ =	shalt  }
0x83: {  	_ =	shalt  }
0x84: {  	_ =	shalt  }
0x85: {  	_ =	shalt  }
0x86: {  	_ =	shalt  }
0x87: {  	_ =	shalt  }
.Lfunc_end0:
.L_simem_size_0:
called_computation_lowered:
.L_overlay_start_0:
0x88: {  	s2 =	sld [smem:$0x3FD9]  }
0x89: {  	s3 =	sld [smem:$0x3FFE];
	_ =	sdelay $0x1  }
0x8a: {  	s1 =	srdreg.scid  }
0x8b: {  	s0 =	sand.u32 $0x1, s1  }
0x8c: {  	s17 =	sshll.u32 s0, $0xA;
	s2 =	sadd.s32 s3, s2  }
0x8d: {  	s2 =	sadd.s32 s2, s17  }
0x8e: {  	[smem:$0x3FC6] =	sst s2  }
0x8f: {  	_ = 	snop  }
0x90: {  	s2 =	sld [smem:$0x3FC9]  }
0x91: {  	s18 =	sld [smem:$0x3FC8]  }
0x92: {  	s4 =	sld [smem:$0x3FD0];
	(tm) =	ssettm $0x1  }
0x93: {  	s5 =	sld [smem:$0x3FFB];
	_ =	sdelay $0x3  }
0x94: {  	_ =	strace s5  }
0x95: {  	s5 =	sld [smem:$0x3FFC];
	_ =	sdelay $0x3  }
0x96: {  	_ =	strace s5  }
0x97: {  	s5 =	sld [smem:$0x3FFD];
	_ =	sdelay $0x3  }
0x98: {  	_ =	strace s5  }
0x99: {  	_ =	strace $0x8FFFFFFF  }
0x9a: {  	s19 =	sld [smem:$0x3FDB];
	_ =	sdelay $0x1  }
0x9b: {  	s6 =	simm.s32 $_scs_section_size  }
0x9c: {  	s7 =	simm.s32 $_size__tile_overlayer_lowered;
	s8 =	simm.s32 $_tile_overlayer_lowered  }
0x9d: {  	s22 =	simm.s32 $0x1BFF;
	s21 =	sshll.u32 s8, $0x1;
	s5 =	sadd.s32 s6, s19  }
0x9e: {  	s9 =	simm.s32 $0x0;
	s20 =	sshll.u32 s7, $0x1;
	s7 =	sadd.s32 s21, s5  }
0x9f: {  	[timem:s9], [sflag:s22] =	dma.local [hbm:s7], s20  }
0xa0: {  	_ =	swait.ge [sflag:s22], s20  }
0xa1: {  	s6 =	ssub.s32 $0x0, s20;
	[sflag:s22] =	ssyncset.done $0x0  }
0xa2: {  	[sflag:s22] =	ssyncadd.s32 s6;
	_ =	sdelay $0x1  }
0xa3: {  	s23 =	simm.s32 $0x1B8B  }
0xa4: {  	_ =	swait.ge [sflag:s23], $0x1  }
0xa5: {  	[sflag:s23] =	ssyncset.done $0x0  }
0xa6: {  	s25 =	simm.s32 $0x1B8E;
	s24 =	sld [smem:$0x3FFE];
	[sflag:s23] =	ssyncadd.s32 $0xFFFFFFFF  }
0xa7: {  	s26 =	simm.s32 $execute0_lowered;
	[smem:$0x3FD2] =	sst s25  }
0xa8: {  	s7 =	sshll.u32 s26, $0x1;
	_ =	strace $0x80000046;
	[dreg:$0x1] =	wrdreg $0xFFFFFFFF  }
0xa9: {  	s28 =	simm.s32 $_size_execute0_lowered;
	s5 =	sadd.s32 s5, s7;
	[dreg:$0x0] =	wrdreg $0x0  }
0xaa: {  	s7 =	sshll.u32 s28, $0x1;
	[dreg:$0x2] =	wrdreg s5  }
0xab: {  	[dreg:$0x3] =	wrdreg s7  }
0xac: {  	[dreg:$0x4] =	wrdreg $0xC0  }
0xad: {  	_ =	task [dreg:s9], $0x5FFFF  }
0xae: {  	[dreg:$0x1] =	wrdreg $0xFFFFFFFF  }
0xaf: {  	[dreg:$0x0] =	wrdreg $0x60  }
0xb0: {  	[dreg:$0x2] =	wrdreg s18  }
0xb1: {  	[dreg:$0x3] =	wrdreg s2  }
0xb2: {  	[dreg:$0x4] =	wrdreg s4  }
0xb3: {  	[dreg:$0x5] =	wrdreg s24  }
0xb4: {  	[dreg:$0x6] =	wrdreg $0x9  }
0xb5: {  	_ =	task.clear_ibuf [dreg:s9], $0x7FFFF;
	_ =	strace $0x90000046  }
0xb6: {  	s29 =	simm.s32 $0x9;
	_ =	strace $0x80000048  }
0xb7: {  	_ =	swait.ge [sflag:s29], $0x1  }
0xb8: {  	[sflag:s29] =	ssyncadd.s32 $0xFFFFFFFF  }
0xb9: {  	_ =	strace $0x90000048  }
0xba: {  	_ =	sfence  }
0xbb: {  	s30 =	sld [smem:$0x0];
	_ =	sdelay $0x2  }
0xbc: {  	s31 =	sshll.u32 s1, $0xD;
	s1 =	sshrl.u32 s1, $0x2  }
0xbd: {  	s3 =	sand.u32 $0x4000, s31;
	s1 =	sadd.s32 s1, s30  }
0xbe: {  	s0 =	sor.u32 s3, s0;
	s1 =	sshll.u32 s1, $0x11  }
0xbf: {  	s0 =	sor.u32 s1, s0  }
0xc0: {  	s0 =	sadd.s32 $0x8F2B, s0  }
0xc1: {  	[sflag:s0] =	ssyncadd.remote.s32 $0x1  }
0xc2: {  	_ =	sfence.sel $0xFFFF  }
0xc3: {  	[dreg:$0x0] =	wrdreg $0xFFFFFFFF;
	(pc) =	sbr.abs _section_cstart, $3  }
0xc4: {  	[dreg:$0x1] =	wrdreg $0xFFFFFFFF  }
0xc5: {  	_ =	task.clear_ibuf [dreg:s9], $0x2FFFF;
	_ =	strace $0x9FFFFFFF  }
0xc6: {  	(tm) =	ssettm $0x7FFFFFFF  }
0xc7: {  	_ =	shalt  }
tec
execute0_lowered:
.L_overlay_start_1:
0x0: {  	(tag) =	ssettag $0x1  }
0x1: {  	s1 =	rddreg [dreg:$0x0]  }
0x2: {  	s6 =	rddreg [dreg:$0x1]  }
0x3: {  	s11 =	rddreg [dreg:$0x2];
	s2 =	srdreg.scid  }
0x4: {  	s0 =	stileid.u32;
	s4 =	rddreg [dreg:$0x3]  }
0x5: {  	s3 =	simm.s32 $0x0;
	s14 =	simm.s32 $0x3E00;
	s15 =	simm.s32 $0x4  }
0x6: {  	s16 =	simm.s32 $0x200;
	s17 =	simm.s32 $0x4000;
	s18 =	simm.s32 $0x2  }
0x7: {  	s19 =	simm.s32 $0x3;
	s21 =	simm.s32 $0x1;
	s22 =	simm.s32 $0x0  }
0x8: {  	s5 =	sand.u32 $0x1, s2;
	s7 =	sshll.u32 s0, $0x1;
	s2 =	rddreg [dreg:$0x4]  }
0x9: {  	[smem:$0x7FF] =	sst s3;
	s9 =	sadd.s32 $0x1E52E, s1;
	s20 =	sor.u32 s5, s7  }
0xa: {  	_ =	strace $0x80000047;
	s5 =	ssub.s32 $0x2, s5;
	s7 =	smul.u32 $0x7A40, s20  }
0xb: {  	s8 =	sshll.u32 s20, $0x1;
	s31 =	sshrl.u32 s5, $0x1;
	s13 =	sshll.u32 s20, $0x6  }
.Ltmp0:
0xc: {  	p0 =	seq.s32 s20, $0x1F;
	s20 =	simm.s32 $0x4200;
	(pc) =	sbr.rel .LBB2_1-.Ltmp0, $4  }
0xd: {  	s10 =	sadd.s32 s8, s4;
	s12 =	ssub.s32 s5, s31;
	s6 =	sadd.s32 s6, s13  }
0xe: {  	s11 =	sadd.s32 s11, s13;
	s13 =	simm.s32 $0x1F00;
	s7 =	sshrl.u32 s7, $0x3  }
0xf: {  	s10 =	sadd.s32 $0xC00, s10;
	s12 =	smax.u32 s12, $0x1;
	s4 =	sadd.s32 s1, s7  }
0x10: {  	s5 =	sadd.s32 $0x3D2, s4;
	s7 =	sadd.s32 $0x7A4, s4;
	s8 =	sadd.s32 $0xB76, s4  }
.LBB2_10:
0x11: {  	v17 =	vld [tilespmem:s23+$0x30];
	v10 =	vmul.f32 $1.442695020e+00, v10;
	(erf) = vpow2.f32 v15;
	v39 =	vpop (erf)  }
0x12: {  	v18 =	vld [tilespmem:s23+$0xFFFFFFD0];
	v11 =	vmul.f32 $1.442695020e+00, v11;
	(erf) = vpow2.f32 v16;
	v40 =	vpop (erf)  }
0x13: {  	v19 =	vld [tilespmem:s23+$0xFFFFFFE0];
	v12 =	vmul.f32 $1.442695020e+00, v12;
	(erf) = vpow2.f32 v10;
	v41 =	vpop (erf)  }
0x14: {  	v20 =	vld [tilespmem:s23+$0xFFFFFFF0];
	v13 =	vmul.f32 $1.442695020e+00, v13;
	(erf) = vpow2.f32 v11;
	v42 =	vpop (erf)  }
0x15: {  	v21 =	vld [tilespmem:s23+$0x0];
	v14 =	vmul.f32 $1.442695020e+00, v14;
	(erf) = vpow2.f32 v12;
	v43 =	vpop (erf)  }
0x16: {  	v22 =	vld [tilespmem:s23+$0x10];
	v17 =	vmul.f32 $1.442695020e+00, v17;
	(erf) = vpow2.f32 v13;
	v44 =	vpop (erf)  }
0x17: {  	v23 =	vld [tilespmem:s23+$0x20];
	v18 =	vmul.f32 $1.442695020e+00, v18;
	(erf) = vpow2.f32 v14;
	v45 =	vpop (erf)  }
0x18: {  	v24 =	vld [tilespmem:s23+$0xFFFFFFC0];
	v19 =	vmul.f32 $1.442695020e+00, v19;
	(erf) = vpow2.f32 v17;
	v46 =	vpop (erf)  }
0x19: {  	v20 =	vmul.f32 $1.442695020e+00, v20;
	(erf) = vpow2.f32 v18;
	v47 =	vpop (erf)  }
0x1a: {  	v21 =	vmul.f32 $1.442695020e+00, v21;
	(erf) = vpow2.f32 v19;
	v48 =	vpop (erf)  }
0x1b: {  	v22 =	vmul.f32 $1.442695020e+00, v22;
	(erf) = vpow2.f32 v20;
	v49 =	vpop (erf)  }
0x1c: {  	v23 =	vmul.f32 $1.442695020e+00, v23;
	(erf) = vpow2.f32 v21;
	v50 =	vpop (erf)  }
0x1d: {  	v24 =	vmul.f32 $1.442695020e+00, v24;
	(erf) = vpow2.f32 v22;
	v51 =	vpop (erf)  }
0x1e: {  	(erf) = vpow2.f32 v23;
	v52 =	vpop (erf)  }
0x1f: {  	(erf) = vpow2.f32 v24;
	v53 =	vpop (erf)  }
0x20: {  	v25 =	vpop (erf)  }
0x21: {  	v26 =	vpop (erf)  }
0x22: {  	v27 =	vpop (erf)  }
0x23: {  	v28 =	vpop (erf)  }
0x24: {  	v29 =	vpop (erf)  }
0x25: {  	v4 =	vadd.f32 v9, v4;
	v0 =	vadd.f32 v44, v0;
	v54 =	vpop (erf)  }
0x26: {  	v8 =	vadd.f32 v39, v8;
	v55 =	vpop (erf)  }
0x27: {  	v4 =	vadd.f32 v47, v4;
	v0 =	vadd.f32 v53, v0;
	v56 =	vpop (erf)  }
0x28: {  	v6 =	vadd.f32 v40, v6;
	v8 =	vadd.f32 v48, v8;
	v57 =	vpop (erf)  }
0x29: {  	v4 =	vadd.f32 v27, v4;
	v0 =	vadd.f32 v57, v0  }
0x2a: {  	v58 =	vld [tilespmem:$0x3D60];
	v7 =	vadd.f32 v41, v7;
	v6 =	vadd.f32 v49, v6  }
0x2b: {  	v61 =	vld [tilespmem:$0x3D70];
	v8 =	vadd.f32 v28, v8;
	v0 =	vadd.f32 v4, v0  }
0x2c: {  	v59 =	vadd.f32 v42, v5;
	v60 =	vadd.f32 v50, v7  }
0x2d: {  	v6 =	vadd.f32 v29, v6;
	v0 =	vadd.f32 v8, v0  }
0x2e: {  	v3 =	vadd.f32 v43, v3;
	v5 =	vadd.f32 v54, v60  }
0x2f: {  	v62 =	vmul.f32 $1.442695020e+00, v58;
	v4 =	vadd.f32 v51, v59;
	v0 =	vadd.f32 v6, v0  }
0x30: {  	v63 =	vmul.f32 $1.442695020e+00, v61;
	v3 =	vadd.f32 v52, v3  }
0x31: {  	(erf) = vpow2.f32 v62;
	v4 =	vadd.f32 v55, v4;
	v0 =	vadd.f32 v5, v0  }
0x32: {  	v2 =	vadd.f32 v46, v2  }
0x33: {  	(erf) = vpow2.f32 v63;
	v3 =	vadd.f32 v56, v3;
	v0 =	vadd.f32 v4, v0  }
0x34: {  	v1 =	vadd.f32 v45, v1  }
0x35: {  	v2 =	vadd.f32 v26, v2;
	v0 =	vadd.f32 v3, v0  }
0x36: {  	v1 =	vadd.f32 v25, v1  }
0x37: {  	v0 =	vadd.f32 v2, v0;
	_ =	sdelay $0x1  }
0x38: {  	v0 =	vadd.f32 v1, v0  }
0x39: {  	v1 =	vpop (erf)  }
0x3a: {  	v0 =	vadd.f32 v1, v0  }
0x3b: {  	v1 =	vpop (erf)  }
0x3c: {  	s23 =	simm.s32 $0x3D80;
	v0 =	vadd.f32 v1, v0  }
.LBB2_14:
0x3d: {  	v1 =	vld [tilespmem:s23+$0x0];
	_ =	sdelay $0x4  }
0x3e: {  	v1 =	vmul.f32 $1.442695020e+00, v1;
	_ =	sdelay $0x1  }
0x3f: {  	(erf) = vpow2.f32 v1;
	_ =	sdelay $0x8  }
0x40: {  	v1 =	vpop (erf)  }
0x41: {  	v0 =	vadd.f32 v1, v0;
	_ =	sdelay $0x1  }
0x42: {  	[tilespmem:$0x4200] =	vst v0  }
0x43: {  	[hbm4b:s10+s3] =	stream.linear.scatter [tilespmem:s20], [sflag:$0x4], $0x10, $0x38;
	[tilespmem:$0x4280] =	vst v63  }
0x44: {  	_ =	swait.ge [sflag:s15], $0x10  }
0x45: {  	[sflag:s15] =	ssyncset.done $0x0  }
0x46: {  	[sflag:s15] =	ssyncadd.s32 $0xFFFFFFF0  }
0x47: {  	s22 =	sadd.s32 $0x1, s22;
	_ =	swait.ge [sflag:s21], $0x200  }
0x48: {  	p1 =	sne.s32 s22, s12;
	[sflag:s21] =	ssyncset.done $0x0  }
.Ltmp1:
0x49: {  	[sflag:s21] =	ssyncadd.s32 $0xFFFFFE00;
	(pc) =	sbr.rel @!p1 .LBB2_15-.Ltmp1, $4  }
0x4a: {  	[hbm4b:s11+s3] =	stream.linear.scatter [tilespmem:s17], [sflag:$0x4], $0x200, $0x38;
	[tilespmem:$0x4280] =	vst v63  }
0x4b: {  	_ =	swait.ge [sflag:s15], $0x200  }
0x4c: {  	[sflag:s15] =	ssyncset.done $0x0  }
0x4d: {  	[sflag:s15] =	ssyncadd.s32 $0xFFFFFE00  }
.LBB2_1:
0x4e: {  	[tilespmem:s3], [sflag:$0x2] =	stream.linear.gather [hbm4b:s4+s3], $0x1E90, $0x38;
	[tilespmem:$0x4280] =	vst v63  }
0x4f: {  	_ = 	snop  }
0x50: {  	[tilespmem:s13], [sflag:$0x3] =	stream.linear.gather [hbm4b:s5+s3], $0x1E90, $0x38;
	[tilespmem:$0x4280] =	vst v63  }
0x51: {  	_ = 	snop  }
0x52: {  	[tilespmem:s14], [sflag:$0x4] =	stream.linear.gather [hbm4b:s6+s3], $0x200, $0x38;
	[tilespmem:$0x4280] =	vst v63  }
0x53: {  	_ =	swait.ge [sflag:s15], $0x200  }
0x54: {  	[sflag:s15] =	ssyncset.done $0x0  }
0x55: {  	[sflag:s15] =	ssyncadd.s32 $0xFFFFFE00  }
0x56: {  	[tilespmem:s17], [sflag:$0x1] =	stream.indirect.gather [hbm4b:s1+s16], $0x1, s14, s16, $0xb8;
	[tilespmem:$0x4280] =	vst v63  }
0x57: {  	_ =	swait.ge [sflag:s18], $0x1E90  }
0x58: {  	[sflag:s18] =	ssyncset.done $0x0  }
0x59: {  	s23 =	sand.u32 $0x3FF0, s3;
	[sflag:s18] =	ssyncadd.s32 $0xFFFFE170  }
0x5a: {  	s24 =	simm.s32 $0x40;
	v0 =	vld [tilespmem:s23+$0x80]  }
0x5b: {  	v1 =	vld [tilespmem:s24+$0x30]  }
0x5c: {  	v2 =	vld [tilespmem:s24+$0xFFFFFFD0]  }
0x5d: {  	v3 =	vld [tilespmem:s24+$0xFFFFFFE0]  }
0x5e: {  	v4 =	vld [tilespmem:s24+$0xFFFFFFF0]  }
0x5f: {  	v5 =	vld [tilespmem:s24+$0x0]  }
0x60: {  	v6 =	vld [tilespmem:s24+$0x10];
	v0 =	vmul.f32 $1.442695020e+00, v0  }
0x61: {  	s29 =	simm.s32 $0x90;
	v7 =	vld [tilespmem:s24+$0x20];
	v1 =	vmul.f32 $1.442695020e+00, v1;
	v2 =	vmul.f32 $1.442695020e+00, v2  }
0x62: {  	s23 =	sand.u32 $0x3FF0, s29;
	v3 =	vmul.f32 $1.442695020e+00, v3;
	(erf) = vpow2.f32 v0;
	v0 =	vld [tilespmem:s24+$0xFFFFFFC0]  }
0x63: {  	s30 =	simm.s32 $0xD0;
	v4 =	vmul.f32 $1.442695020e+00, v4;
	(erf) = vpow2.f32 v1;
	v1 =	vld [tilespmem:s23+$0x80]  }
0x64: {  	v5 =	vmul.f32 $1.442695020e+00, v5;
	(erf) = vpow2.f32 v2;
	v2 =	vld [tilespmem:s30+$0x30]  }
0x65: {  	v8 =	vld [tilespmem:s30+$0xFFFFFFD0];
	(erf) = vpow2.f32 v3;
	v3 =	vmul.f32 $1.442695020e+00, v6  }
0x66: {  	v6 =	vmul.f32 $1.442695020e+00, v7;
	(erf) = vpow2.f32 v4;
	v4 =	vld [tilespmem:s30+$0xFFFFFFE0]  }
0x67: {  	(erf) = vpow2.f32 v5;
	v0 =	vmul.f32 $1.442695020e+00, v0  }
0x68: {  	v5 =	vld [tilespmem:s30+$0xFFFFFFF0];
	(erf) = vpow2.f32 v3;
	v1 =	vmul.f32 $1.442695020e+00, v1  }
0x69: {  	v7 =	vimm.f32 $0.0e+00;
	(erf) = vpow2.f32 v6;
	v2 =	vmul.f32 $1.442695020e+00, v2  }
0x6a: {  	v10 =	vld [tilespmem:s30+$0x0];
	v3 =	vimm.f32 $0.0e+00;
	v6 =	vmul.f32 $1.442695020e+00, v8;
	(erf) = vpow2.f32 v0  }
0x6b: {  	v11 =	vld [tilespmem:s30+$0x10];
	v8 =	vimm.f32 $0.0e+00;
	(erf) = vpow2.f32 v1;
	v0 =	vpop (erf);
	v15 =	vmul.f32 $1.442695020e+00, v4  }
0x6c: {  	s31 =	simm.s32 $0x120;
	v12 =	vld [tilespmem:s30+$0x20];
	v4 =	vimm.f32 $0.0e+00;
	(erf) = vpow2.f32 v2;
	v0 =	vadd.f32 v0, v3  }
0x6d: {  	v13 =	vld [tilespmem:s30+$0xFFFFFFC0];
	s24 =	sand.u32 $0x3FF0, s31;
	v1 =	vpop (erf);
	v16 =	vmul.f32 $1.442695020e+00, v5;
	v5 =	vimm.f32 $0.0e+00;
	v2 =	vimm.f32 $0.0e+00  }
0x6e: {  	v14 =	vld [tilespmem:s24+$0x80];
	s24 =	simm.s32 $0x1B0;
	s23 =	simm.s32 $0x160;
	(erf) = vpow2.f32 v6;
	v1 =	vadd.f32 v1, v3;
	v6 =	vimm.f32 $0.0e+00;
	v9 =	vpop (erf)  }
.LBB2_2:
0x6f: {  	p1 =	sne.s32 s24, $0x1DD0;
	v17 =	vld [tilespmem:s23+$0x30];
	v10 =	vmul.f32 $1.442695020e+00, v10;
	(erf) = vpow2.f32 v15;
	v3 =	vadd.f32 v9, v3;
	v9 =	vpop (erf)  }
0x70: {  	v15 =	vld [tilespmem:s23+$0xFFFFFFD0];
	v11 =	vmul.f32 $1.442695020e+00, v11;
	(erf) = vpow2.f32 v16;
	v7 =	vadd.f32 v9, v7;
	v9 =	vpop (erf)  }
0x71: {  	v16 =	vld [tilespmem:s23+$0xFFFFFFE0];
	v12 =	vmul.f32 $1.442695020e+00, v12;
	(erf) = vpow2.f32 v10;
	v6 =	vadd.f32 v9, v6;
	v9 =	vpop (erf)  }
0x72: {  	v18 =	vld [tilespmem:s23+$0xFFFFFFF0];
	v13 =	vmul.f32 $1.442695020e+00, v13;
	(erf) = vpow2.f32 v11;
	v5 =	vadd.f32 v9, v5;
	v9 =	vpop (erf)  }
.Ltmp2:
0x73: {  	v10 =	vld [tilespmem:s23+$0x0];
	v20 =	vmul.f32 $1.442695020e+00, v14;
	(erf) = vpow2.f32 v12;
	v4 =	vadd.f32 v9, v4;
	v9 =	vpop (erf);
	(pc) =	sbr.rel @p1 .LBB2_2-.Ltmp2, $4  }
0x74: {  	v11 =	vld [tilespmem:s23+$0x10];
	v17 =	vmul.f32 $1.442695020e+00, v17;
	(erf) = vpow2.f32 v13;
	v2 =	vadd.f32 v9, v2;
	v9 =	vpop (erf)  }
0x75: {  	v19 =	vmul.f32 $1.442695020e+00, v15;
	v12 =	vld [tilespmem:s23+$0x20];
	(erf) = vpow2.f32 v20;
	v14 =	vpop (erf);
	v8 =	vadd.f32 v9, v8  }
0x76: {  	s25 =	sand.u32 $0x3FF0, s24;
	v13 =	vld [tilespmem:s23+$0xFFFFFFC0];
	v15 =	vmul.f32 $1.442695020e+00, v16;
	(erf) = vpow2.f32 v17;
	v0 =	vadd.f32 v14, v0;
	v9 =	vpop (erf)  }
0x77: {  	s24 =	sadd.s32 $0x90, s24;
	s23 =	sadd.s32 $0x90, s23;
	v14 =	vld [tilespmem:s25+$0x80];
	v16 =	vmul.f32 $1.442695020e+00, v18;
	(erf) = vpow2.f32 v19;
	v1 =	vadd.f32 v9, v1;
	v9 =	vpop (erf)  }
0x78: {  	v17 =	vld [tilespmem:s23+$0x30];
	v10 =	vmul.f32 $1.442695020e+00, v10  }
0x79: {  	v18 =	vld [tilespmem:s23+$0xFFFFFFD0];
	v11 =	vmul.f32 $1.442695020e+00, v11  }
0x7a: {  	(erf) = vpow2.f32 v15;
	v15 =	vpop (erf);
	v19 =	vld [tilespmem:s23+$0xFFFFFFE0];
	v12 =	vmul.f32 $1.442695020e+00, v12  }
0x7b: {  	(erf) = vpow2.f32 v16;
	v16 =	vpop (erf);
	v13 =	vmul.f32 $1.442695020e+00, v13  }
0x7c: {  	(erf) = vpow2.f32 v10;
	v10 =	vpop (erf);
	v14 =	vmul.f32 $1.442695020e+00, v14  }
0x7d: {  	v20 =	vld [tilespmem:s23+$0xFFFFFFF0];
	(erf) = vpow2.f32 v11;
	v11 =	vpop (erf);
	v17 =	vmul.f32 $1.442695020e+00, v17  }
0x7e: {  	v21 =	vld [tilespmem:s23+$0x0];
	(erf) = vpow2.f32 v12;
	v18 =	vmul.f32 $1.442695020e+00, v18;
	v12 =	vpop (erf)  }
0x7f: {  	v22 =	vld [tilespmem:s23+$0x10];
	v19 =	vmul.f32 $1.442695020e+00, v19;
	(erf) = vpow2.f32 v13;
	v13 =	vpop (erf)  }
0x80: {  	v23 =	vld [tilespmem:s23+$0x20];
	(erf) = vpow2.f32 v14;
	v14 =	vpop (erf)  }
0x81: {  	v24 =	vld [tilespmem:s23+$0xFFFFFFC0];
	(erf) = vpow2.f32 v17;
	v17 =	vpop (erf)  }
0x82: {  	v20 =	vmul.f32 $1.442695020e+00, v20;
	(erf) = vpow2.f32 v18;
	v18 =	vpop (erf)  }
0x83: {  	v21 =	vmul.f32 $1.442695020e+00, v21;
	(erf) = vpow2.f32 v19;
	v19 =	vpop (erf)  }
0x84: {  	v25 =	vld [tilespmem:$0x1E60];
	v22 =	vmul.f32 $1.442695020e+00, v22;
	(erf) = vpow2.f32 v20;
	v55 =	vpop (erf)  }
0x85: {  	v26 =	vld [tilespmem:$0x1E70];
	v23 =	vmul.f32 $1.442695020e+00, v23;
	(erf) = vpow2.f32 v21;
	v56 =	vpop (erf)  }
0x86: {  	v27 =	vld [tilespmem:$0x1E80];
	v24 =	vmul.f32 $1.442695020e+00, v24;
	(erf) = vpow2.f32 v22;
	v57 =	vpop (erf)  }
0x87: {  	(erf) = vpow2.f32 v23;
	v58 =	vpop (erf)  }
0x88: {  	(erf) = vpow2.f32 v24;
	v59 =	vpop (erf)  }
0x89: {  	v25 =	vmul.f32 $1.442695020e+00, v25;
	v28 =	vpop (erf)  }
0x8a: {  	v26 =	vmul.f32 $1.442695020e+00, v26;
	v61 =	vpop (erf)  }
0x8b: {  	v60 =	vmul.f32 $1.442695020e+00, v27;
	(erf) = vpow2.f32 v25;
	v62 =	vpop (erf)  }
0x8c: {  	(erf) = vpow2.f32 v26;
	v63 =	vpop (erf)  }
0x8d: {  	(erf) = vpow2.f32 v60;
	v29 =	vpop (erf)  }
0x8e: {  	v3 =	vadd.f32 v9, v3;
	v8 =	vadd.f32 v13, v8;
	v9 =	vpop (erf)  }
0x8f: {  	v13 =	vpop (erf)  }
0x90: {  	v7 =	vadd.f32 v15, v7;
	v8 =	vadd.f32 v59, v8;
	v15 =	vpop (erf)  }
0x91: {  	v6 =	vadd.f32 v16, v6;
	v16 =	vpop (erf)  }
0x92: {  	v3 =	vadd.f32 v18, v3;
	v8 =	vadd.f32 v16, v8;
	_ =	sdelay $0x1  }
0x93: {  	v7 =	vadd.f32 v19, v7;
	v3 =	vadd.f32 v62, v3;
	v16 =	vpop (erf)  }
0x94: {  	s28 =	simm.s32 $0x0;
	v5 =	vadd.f32 v10, v5;
	v6 =	vadd.f32 v55, v6;
	v10 =	vpop (erf)  }
0x95: {  	[tilespmem:s28], [sflag:$0x2] =	stream.linear.gather [hbm4b:s7+s28], $0x1E90, $0x38;
	v7 =	vadd.f32 v63, v7;
	v3 =	vadd.f32 v3, v8;
	v8 =	vpop (erf);
	[tilespmem:$0x4280] =	vst v63  }
0x96: {  	v5 =	vadd.f32 v56, v5;
	_ =	swait.ge [sflag:s19], $0x1E90  }
0x97: {  	v6 =	vadd.f32 v29, v6;
	v3 =	vadd.f32 v7, v3;
	[sflag:s19] =	ssyncset.done $0x0  }
0x98: {  	s23 =	sand.u32 $0x3FF0, s28;
	v4 =	vadd.f32 v11, v4;
	[sflag:s19] =	ssyncadd.s32 $0xFFFFE170  }
0x99: {  	s24 =	simm.s32 $0x1F40;
	v5 =	vadd.f32 v9, v5;
	v3 =	vadd.f32 v6, v3;
	v6 =	vld [tilespmem:s23+$0x1F80]  }
0x9a: {  	v2 =	vadd.f32 v12, v2;
	v4 =	vadd.f32 v57, v4;
	v7 =	vld [tilespmem:s24+$0x30]  }
0x9b: {  	v3 =	vadd.f32 v5, v3;
	v5 =	vld [tilespmem:s24+$0xFFFFFFD0]  }
0x9c: {  	v2 =	vadd.f32 v58, v2;
	v4 =	vadd.f32 v13, v4;
	v9 =	vld [tilespmem:s24+$0xFFFFFFE0]  }
0x9d: {  	v1 =	vadd.f32 v17, v1;
	v11 =	vld [tilespmem:s24+$0x0]  }
0x9e: {  	v2 =	vadd.f32 v15, v2;
	v3 =	vadd.f32 v4, v3;
	v4 =	vld [tilespmem:s24+$0xFFFFFFF0]  }
0x9f: {  	v0 =	vadd.f32 v14, v0;
	v12 =	vld [tilespmem:s24+$0x20]  }
0xa0: {  	s30 =	simm.s32 $0x1FD0;
	v1 =	vadd.f32 v61, v1;
	v2 =	vadd.f32 v2, v3;
	v3 =	vld [tilespmem:s24+$0x10];
	v6 =	vmul.f32 $1.442695020e+00, v6  }
0xa1: {  	v0 =	vadd.f32 v28, v0;
	v13 =	vld [tilespmem:s30+$0xFFFFFFF0];
	v7 =	vmul.f32 $1.442695020e+00, v7;
	v5 =	vmul.f32 $1.442695020e+00, v5  }
0xa2: {  	v1 =	vadd.f32 v1, v2;
	v2 =	vld [tilespmem:s24+$0xFFFFFFC0];
	(erf) = vpow2.f32 v6;
	v6 =	vmul.f32 $1.442695020e+00, v9  }
0xa3: {  	s29 =	simm.s32 $0x90;
	v4 =	vmul.f32 $1.442695020e+00, v4;
	v9 =	vld [tilespmem:s30+$0xFFFFFFE0];
	(erf) = vpow2.f32 v7  }
0xa4: {  	s23 =	sand.u32 $0x3FF0, s29;
	v0 =	vadd.f32 v0, v1;
	v1 =	vld [tilespmem:s30+$0x30];
	(erf) = vpow2.f32 v5;
	v5 =	vmul.f32 $1.442695020e+00, v11  }
0xa5: {  	v7 =	vld [tilespmem:s23+$0x1F80];
	v3 =	vmul.f32 $1.442695020e+00, v3;
	(erf) = vpow2.f32 v6  }
0xa6: {  	v0 =	vadd.f32 v16, v0;
	v16 =	vmul.f32 $1.442695020e+00, v13;
	(erf) = vpow2.f32 v4  }
0xa7: {  	v6 =	vld [tilespmem:s30+$0xFFFFFFD0];
	v4 =	vmul.f32 $1.442695020e+00, v12;
	v2 =	vmul.f32 $1.442695020e+00, v2  }
0xa8: {  	(erf) = vpow2.f32 v5;
	v0 =	vadd.f32 v10, v0;
	v15 =	vmul.f32 $1.442695020e+00, v9  }
0xa9: {  	v5 =	vimm.f32 $0.0e+00;
	(erf) = vpow2.f32 v3;
	v1 =	vmul.f32 $1.442695020e+00, v1  }
0xaa: {  	v10 =	vld [tilespmem:s30+$0x0];
	v3 =	vmul.f32 $1.442695020e+00, v7;
	v7 =	vimm.f32 $0.0e+00;
	(erf) = vpow2.f32 v4  }
0xab: {  	v11 =	vld [tilespmem:s30+$0x10];
	v4 =	vadd.f32 v8, v0;
	v8 =	vimm.f32 $0.0e+00;
	(erf) = vpow2.f32 v2  }
0xac: {  	s31 =	simm.s32 $0x120;
	v12 =	vld [tilespmem:s30+$0x20];
	v2 =	vmul.f32 $1.442695020e+00, v6;
	v6 =	vimm.f32 $0.0e+00;
	(erf) = vpow2.f32 v3;
	v0 =	vpop (erf)  }
0xad: {  	s24 =	sand.u32 $0x3FF0, s31;
	v13 =	vld [tilespmem:s30+$0xFFFFFFC0];
	v3 =	vimm.f32 $0.0e+00;
	(erf) = vpow2.f32 v1;
	v0 =	vadd.f32 v0, v5;
	v1 =	vpop (erf)  }
0xae: {  	v14 =	vld [tilespmem:s24+$0x1F80];
	s24 =	simm.s32 $0x1B0;
	s23 =	simm.s32 $0x2060;
	(erf) = vpow2.f32 v2;
	v1 =	vadd.f32 v1, v5;
	v9 =	vpop (erf);
	v2 =	vimm.f32 $0.0e+00  }
.LBB2_4:
0xaf: {  	p1 =	sne.s32 s24, $0x1DD0;
	v17 =	vld [tilespmem:s23+$0x30];
	v10 =	vmul.f32 $1.442695020e+00, v10;
	(erf) = vpow2.f32 v15;
	v5 =	vadd.f32 v9, v5;
	v9 =	vpop (erf)  }
0xb0: {  	v15 =	vld [tilespmem:s23+$0xFFFFFFD0];
	v11 =	vmul.f32 $1.442695020e+00, v11;
	(erf) = vpow2.f32 v16;
	v8 =	vadd.f32 v9, v8;
	v9 =	vpop (erf)  }
0xb1: {  	v16 =	vld [tilespmem:s23+$0xFFFFFFE0];
	v12 =	vmul.f32 $1.442695020e+00, v12;
	(erf) = vpow2.f32 v10;
	v7 =	vadd.f32 v9, v7;
	v9 =	vpop (erf)  }
0xb2: {  	v18 =	vld [tilespmem:s23+$0xFFFFFFF0];
	v13 =	vmul.f32 $1.442695020e+00, v13;
	(erf) = vpow2.f32 v11;
	v6 =	vadd.f32 v9, v6;
	v9 =	vpop (erf)  }
.Ltmp3:
0xb3: {  	v10 =	vld [tilespmem:s23+$0x0];
	v20 =	vmul.f32 $1.442695020e+00, v14;
	(erf) = vpow2.f32 v12;
	v3 =	vadd.f32 v9, v3;
	v9 =	vpop (erf);
	(pc) =	sbr.rel @p1 .LBB2_4-.Ltmp3, $4  }
0xb4: {  	v11 =	vld [tilespmem:s23+$0x10];
	v17 =	vmul.f32 $1.442695020e+00, v17;
	(erf) = vpow2.f32 v13;
	v2 =	vadd.f32 v9, v2;
	v9 =	vpop (erf)  }
0xb5: {  	v19 =	vmul.f32 $1.442695020e+00, v15;
	v12 =	vld [tilespmem:s23+$0x20];
	(erf) = vpow2.f32 v20;
	v14 =	vpop (erf);
	v4 =	vadd.f32 v9, v4  }
0xb6: {  	s25 =	sand.u32 $0x3FF0, s24;
	v13 =	vld [tilespmem:s23+$0xFFFFFFC0];
	v15 =	vmul.f32 $1.442695020e+00, v16;
	(erf) = vpow2.f32 v17;
	v0 =	vadd.f32 v14, v0;
	v9 =	vpop (erf)  }
0xb7: {  	s24 =	sadd.s32 $0x90, s24;
	s23 =	sadd.s32 $0x90, s23;
	v14 =	vld [tilespmem:s25+$0x1F80];
	v16 =	vmul.f32 $1.442695020e+00, v18;
	(erf) = vpow2.f32 v19;
	v1 =	vadd.f32 v9, v1;
	v9 =	vpop (erf)  }
0xb8: {  	v17 =	vld [tilespmem:s23+$0x30];
	v10 =	vmul.f32 $1.442695020e+00, v10  }
0xb9: {  	v18 =	vld [tilespmem:s23+$0xFFFFFFD0];
	v11 =	vmul.f32 $1.442695020e+00, v11  }
0xba: {  	(erf) = vpow2.f32 v15;
	v15 =	vpop (erf);
	v19 =	vld [tilespmem:s23+$0xFFFFFFE0];
	v12 =	vmul.f32 $1.442695020e+00, v12  }
0xbb: {  	(erf) = vpow2.f32 v16;
	v16 =	vpop (erf);
	v13 =	vmul.f32 $1.442695020e+00, v13  }
0xbc: {  	(erf) = vpow2.f32 v10;
	v10 =	vpop (erf);
	v14 =	vmul.f32 $1.442695020e+00, v14  }
0xbd: {  	v20 =	vld [tilespmem:s23+$0xFFFFFFF0];
	(erf) = vpow2.f32 v11;
	v11 =	vpop (erf);
	v17 =	vmul.f32 $1.442695020e+00, v17  }
0xbe: {  	v21 =	vld [tilespmem:s23+$0x0];
	(erf) = vpow2.f32 v12;
	v18 =	vmul.f32 $1.442695020e+00, v18;
	v12 =	vpop (erf)  }
0xbf: {  	v22 =	vld [tilespmem:s23+$0x10];
	v19 =	vmul.f32 $1.442695020e+00, v19;
	(erf) = vpow2.f32 v13;
	v13 =	vpop (erf)  }
0xc0: {  	v23 =	vld [tilespmem:s23+$0x20];
	(erf) = vpow2.f32 v14;
	v14 =	vpop (erf)  }
0xc1: {  	v24 =	vld [tilespmem:s23+$0xFFFFFFC0];
	(erf) = vpow2.f32 v17;
	v17 =	vpop (erf)  }
0xc2: {  	v25 =	vld [tilespmem:$0x3D60];
	v20 =	vmul.f32 $1.442695020e+00, v20;
	(erf) = vpow2.f32 v18;
	v18 =	vpop (erf)  }
0xc3: {  	v26 =	vld [tilespmem:$0x3D70];
	v21 =	vmul.f32 $1.442695020e+00, v21;
	(erf) = vpow2.f32 v19;
	v19 =	vpop (erf)  }
0xc4: {  	v27 =	vld [tilespmem:$0x3D80];
	v22 =	vmul.f32 $1.442695020e+00, v22;
	(erf) = vpow2.f32 v20;
	v55 =	vpop (erf)  }
0xc5: {  	v23 =	vmul.f32 $1.442695020e+00, v23;
	(erf) = vpow2.f32 v21;
	v56 =	vpop (erf)  }
0xc6: {  	v24 =	vmul.f32 $1.442695020e+00, v24;
	(erf) = vpow2.f32 v22;
	v57 =	vpop (erf)  }
0xc7: {  	v25 =	vmul.f32 $1.442695020e+00, v25;
	(erf) = vpow2.f32 v23;
	v58 =	vpop (erf)  }
0xc8: {  	v26 =	vmul.f32 $1.442695020e+00, v26;
	(erf) = vpow2.f32 v24;
	v59 =	vpop (erf)  }
0xc9: {  	v60 =	vmul.f32 $1.442695020e+00, v27;
	v28 =	vpop (erf);
	(erf) = vpow2.f32 v25  }
0xca: {  	v61 =	vpop (erf);
	(erf) = vpow2.f32 v26  }
0xcb: {  	v62 =	vpop (erf);
	(erf) = vpow2.f32 v60  }
0xcc: {  	v5 =	vadd.f32 v9, v5;
	v63 =	vpop (erf)  }
0xcd: {  	v29 =	vpop (erf)  }
0xce: {  	v4 =	vadd.f32 v13, v4;
	v5 =	vadd.f32 v18, v5;
	v9 =	vpop (erf)  }
0xcf: {  	v8 =	vadd.f32 v15, v8;
	v13 =	vpop (erf)  }
0xd0: {  	v4 =	vadd.f32 v59, v4;
	v5 =	vadd.f32 v62, v5;
	v15 =	vpop (erf)  }
0xd1: {  	s23 =	simm.s32 @p0 $0x0;
	s24 =	simm.s32 @p0 $0x1F00;
	v7 =	vadd.f32 v16, v7;
	v16 =	vpop (erf)  }
0xd2: {  	[tilespmem:s24], [sflag:$0x3] =	stream.linear.gather @p0 [hbm4b:s9+s23], $0x18D0, $0x38;
	v8 =	vadd.f32 v19, v8;
	v4 =	vadd.f32 v16, v4;
	v16 =	vpop (erf);
	[tilespmem:$0x4280] =	vst v63  }
0xd3: {  	s23 =	simm.s32 @!p0 $0x0;
	s24 =	simm.s32 @!p0 $0x1F00;
	v6 =	vadd.f32 v10, v6;
	v7 =	vadd.f32 v55, v7;
	v10 =	vpop (erf)  }
0xd4: {  	[tilespmem:s24], [sflag:$0x3] =	stream.linear.gather @!p0 [hbm4b:s8+s23], $0x1E90, $0x38;
	v8 =	vadd.f32 v63, v8;
	v4 =	vadd.f32 v5, v4;
	v5 =	vpop (erf);
	[tilespmem:$0x4280] =	vst v63  }
0xd5: {  	v6 =	vadd.f32 v56, v6;
	_ =	swait.ge [sflag:s18], $0x1E90  }
0xd6: {  	s26 =	simm.s32 $0x0;
	v7 =	vadd.f32 v29, v7;
	v4 =	vadd.f32 v8, v4;
	[sflag:s18] =	ssyncset.done $0x0  }
0xd7: {  	s23 =	sand.u32 $0x3FF0, s26;
	v3 =	vadd.f32 v11, v3;
	[sflag:s18] =	ssyncadd.s32 $0xFFFFE170  }
0xd8: {  	s28 =	simm.s32 $0x40;
	v6 =	vadd.f32 v9, v6;
	v4 =	vadd.f32 v7, v4;
	v7 =	vld [tilespmem:s23+$0x80]  }
0xd9: {  	v2 =	vadd.f32 v12, v2;
	v3 =	vadd.f32 v57, v3;
	v8 =	vld [tilespmem:s28+$0x30]  }
0xda: {  	v4 =	vadd.f32 v6, v4;
	v6 =	vld [tilespmem:s28+$0xFFFFFFD0]  }
0xdb: {  	v2 =	vadd.f32 v58, v2;
	v3 =	vadd.f32 v13, v3;
	v9 =	vld [tilespmem:s28+$0xFFFFFFE0]  }
0xdc: {  	v1 =	vadd.f32 v17, v1;
	v11 =	vld [tilespmem:s28+$0x0]  }
0xdd: {  	v2 =	vadd.f32 v15, v2;
	v3 =	vadd.f32 v3, v4;
	v4 =	vld [tilespmem:s28+$0xFFFFFFF0]  }
0xde: {  	v0 =	vadd.f32 v14, v0;
	v1 =	vadd.f32 v61, v1;
	v12 =	vld [tilespmem:s28+$0x20];
	v7 =	vmul.f32 $1.442695020e+00, v7  }
0xdf: {  	s30 =	simm.s32 $0xD0;
	v8 =	vmul.f32 $1.442695020e+00, v8;
	v2 =	vadd.f32 v2, v3;
	v3 =	vld [tilespmem:s28+$0x10];
	v6 =	vmul.f32 $1.442695020e+00, v6  }
0xe0: {  	s29 =	simm.s32 $0x90;
	(erf) = vpow2.f32 v7;
	v7 =	vmul.f32 $1.442695020e+00, v9;
	v9 =	vld [tilespmem:s30+$0xFFFFFFE0]  }
0xe1: {  	v0 =	vadd.f32 v28, v0;
	s23 =	sand.u32 $0x3FF0, s29;
	v1 =	vadd.f32 v1, v2;
	v2 =	vld [tilespmem:s28+$0xFFFFFFC0];
	(erf) = vpow2.f32 v8  }
0xe2: {  	v8 =	vld [tilespmem:s23+$0x80];
	v4 =	vmul.f32 $1.442695020e+00, v4;
	(erf) = vpow2.f32 v6  }
0xe3: {  	v6 =	vmul.f32 $1.442695020e+00, v11;
	v0 =	vadd.f32 v0, v1;
	v1 =	vld [tilespmem:s30+$0x30];
	(erf) = vpow2.f32 v7  }
0xe4: {  	v3 =	vmul.f32 $1.442695020e+00, v3;
	(erf) = vpow2.f32 v4  }
0xe5: {  	v7 =	vld [tilespmem:s30+$0xFFFFFFD0];
	v4 =	vmul.f32 $1.442695020e+00, v12;
	v0 =	vadd.f32 v16, v0;
	(erf) = vpow2.f32 v6  }
0xe6: {  	v15 =	vmul.f32 $1.442695020e+00, v9;
	v2 =	vmul.f32 $1.442695020e+00, v2  }
0xe7: {  	v6 =	vld [tilespmem:s30+$0xFFFFFFF0];
	(erf) = vpow2.f32 v3;
	v3 =	vmul.f32 $1.442695020e+00, v8;
	v0 =	vadd.f32 v10, v0  }
0xe8: {  	(erf) = vpow2.f32 v4;
	v1 =	vmul.f32 $1.442695020e+00, v1  }
0xe9: {  	v8 =	vimm.f32 $0.0e+00;
	v10 =	vld [tilespmem:s30+$0x0];
	v4 =	vimm.f32 $0.0e+00;
	(erf) = vpow2.f32 v2  }
0xea: {  	v11 =	vld [tilespmem:s30+$0x10];
	v2 =	vadd.f32 v5, v0;
	v5 =	vmul.f32 $1.442695020e+00, v7;
	(erf) = vpow2.f32 v3  }
0xeb: {  	s31 =	simm.s32 $0x120;
	v12 =	vld [tilespmem:s30+$0x20];
	v7 =	vimm.f32 $0.0e+00;
	v3 =	vimm.f32 $0.0e+00;
	(erf) = vpow2.f32 v1;
	v0 =	vpop (erf)  }
0xec: {  	s24 =	sand.u32 $0x3FF0, s31;
	v13 =	vld [tilespmem:s30+$0xFFFFFFC0];
	v16 =	vmul.f32 $1.442695020e+00, v6;
	v6 =	vimm.f32 $0.0e+00;
	v0 =	vadd.f32 v0, v4;
	v1 =	vpop (erf)  }
0xed: {  	v14 =	vld [tilespmem:s24+$0x80];
	s24 =	simm.s32 $0x1B0;
	s23 =	simm.s32 $0x160;
	(erf) = vpow2.f32 v5;
	v5 =	vimm.f32 $0.0e+00;
	v1 =	vadd.f32 v1, v4;
	v9 =	vpop (erf)  }
.LBB2_6:
0xee: {  	p1 =	sne.s32 s24, $0x1DD0;
	v17 =	vld [tilespmem:s23+$0x30];
	v10 =	vmul.f32 $1.442695020e+00, v10;
	(erf) = vpow2.f32 v15;
	v4 =	vadd.f32 v9, v4;
	v9 =	vpop (erf)  }
0xef: {  	v15 =	vld [tilespmem:s23+$0xFFFFFFD0];
	v11 =	vmul.f32 $1.442695020e+00, v11;
	(erf) = vpow2.f32 v16;
	v8 =	vadd.f32 v9, v8;
	v9 =	vpop (erf)  }
0xf0: {  	v16 =	vld [tilespmem:s23+$0xFFFFFFE0];
	v12 =	vmul.f32 $1.442695020e+00, v12;
	(erf) = vpow2.f32 v10;
	v6 =	vadd.f32 v9, v6;
	v9 =	vpop (erf)  }
0xf1: {  	v18 =	vld [tilespmem:s23+$0xFFFFFFF0];
	v13 =	vmul.f32 $1.442695020e+00, v13;
	(erf) = vpow2.f32 v11;
	v7 =	vadd.f32 v9, v7;
	v9 =	vpop (erf)  }
.Ltmp4:
0xf2: {  	v10 =	vld [tilespmem:s23+$0x0];
	v20 =	vmul.f32 $1.442695020e+00, v14;
	(erf) = vpow2.f32 v12;
	v5 =	vadd.f32 v9, v5;
	v9 =	vpop (erf);
	(pc) =	sbr.rel @p1 .LBB2_6-.Ltmp4, $4  }
0xf3: {  	v11 =	vld [tilespmem:s23+$0x10];
	v17 =	vmul.f32 $1.442695020e+00, v17;
	(erf) = vpow2.f32 v13;
	v3 =	vadd.f32 v9, v3;
	v9 =	vpop (erf)  }
0xf4: {  	v19 =	vmul.f32 $1.442695020e+00, v15;
	v12 =	vld [tilespmem:s23+$0x20];
	(erf) = vpow2.f32 v20;
	v14 =	vpop (erf);
	v2 =	vadd.f32 v9, v2  }
0xf5: {  	s25 =	sand.u32 $0x3FF0, s24;
	v13 =	vld [tilespmem:s23+$0xFFFFFFC0];
	v15 =	vmul.f32 $1.442695020e+00, v16;
	(erf) = vpow2.f32 v17;
	v0 =	vadd.f32 v14, v0;
	v9 =	vpop (erf)  }
0xf6: {  	s24 =	sadd.s32 $0x90, s24;
	s23 =	sadd.s32 $0x90, s23;
	v14 =	vld [tilespmem:s25+$0x80];
	v16 =	vmul.f32 $1.442695020e+00, v18;
	(erf) = vpow2.f32 v19;
	v1 =	vadd.f32 v9, v1;
	v9 =	vpop (erf)  }
0xf7: {  	v17 =	vld [tilespmem:s23+$0x30];
	v10 =	vmul.f32 $1.442695020e+00, v10;
	(erf) = vpow2.f32 v15;
	v37 =	vpop (erf)  }
0xf8: {  	v18 =	vld [tilespmem:s23+$0xFFFFFFD0];
	v11 =	vmul.f32 $1.442695020e+00, v11;
	(erf) = vpow2.f32 v16;
	v38 =	vpop (erf)  }
0xf9: {  	v19 =	vld [tilespmem:s23+$0xFFFFFFE0];
	v12 =	vmul.f32 $1.442695020e+00, v12;
	(erf) = vpow2.f32 v10;
	v39 =	vpop (erf)  }
0xfa: {  	v20 =	vld [tilespmem:s23+$0xFFFFFFF0];
	v13 =	vmul.f32 $1.442695020e+00, v13;
	(erf) = vpow2.f32 v11;
	v40 =	vpop (erf)  }
0xfb: {  	v21 =	vld [tilespmem:s23+$0x0];
	v14 =	vmul.f32 $1.442695020e+00, v14;
	(erf) = vpow2.f32 v12;
	v41 =	vpop (erf)  }
0xfc: {  	v22 =	vld [tilespmem:s23+$0x10];
	v17 =	vmul.f32 $1.442695020e+00, v17;
	(erf) = vpow2.f32 v13;
	v42 =	vpop (erf)  }
0xfd: {  	v23 =	vld [tilespmem:s23+$0x20];
	v18 =	vmul.f32 $1.442695020e+00, v18;
	(erf) = vpow2.f32 v14;
	v43 =	vpop (erf)  }
0xfe: {  	v24 =	vld [tilespmem:s23+$0xFFFFFFC0];
	v19 =	vmul.f32 $1.442695020e+00, v19;
	(erf) = vpow2.f32 v17;
	v44 =	vpop (erf)  }
0xff: {  	v20 =	vmul.f32 $1.442695020e+00, v20;
	(erf) = vpow2.f32 v18;
	v45 =	vpop (erf)  }
0x100: {  	v21 =	vmul.f32 $1.442695020e+00, v21;
	(erf) = vpow2.f32 v19;
	v46 =	vpop (erf)  }
0x101: {  	v22 =	vmul.f32 $1.442695020e+00, v22;
	(erf) = vpow2.f32 v20;
	v47 =	vpop (erf)  }
0x102: {  	v23 =	vmul.f32 $1.442695020e+00, v23;
	(erf) = vpow2.f32 v21;
	v48 =	vpop (erf)  }
0x103: {  	v24 =	vmul.f32 $1.442695020e+00, v24;
	(erf) = vpow2.f32 v22;
	v49 =	vpop (erf)  }
0x104: {  	(erf) = vpow2.f32 v23;
	v50 =	vpop (erf)  }
0x105: {  	(erf) = vpow2.f32 v24;
	v51 =	vpop (erf)  }
0x106: {  	v25 =	vpop (erf)  }
0x107: {  	v26 =	vpop (erf)  }
0x108: {  	v27 =	vpop (erf)  }
0x109: {  	v28 =	vpop (erf)  }
0x10a: {  	v29 =	vpop (erf)  }
0x10b: {  	v4 =	vadd.f32 v9, v4;
	v2 =	vadd.f32 v42, v2;
	v52 =	vpop (erf)  }
0x10c: {  	v8 =	vadd.f32 v37, v8;
	v53 =	vpop (erf)  }
0x10d: {  	v4 =	vadd.f32 v45, v4;
	v2 =	vadd.f32 v51, v2;
	v54 =	vpop (erf)  }
0x10e: {  	v6 =	vadd.f32 v38, v6;
	v8 =	vadd.f32 v46, v8;
	v55 =	vpop (erf)  }
0x10f: {  	v4 =	vadd.f32 v27, v4;
	v2 =	vadd.f32 v55, v2  }
0x110: {  	v7 =	vadd.f32 v39, v7;
	v6 =	vadd.f32 v47, v6  }
0x111: {  	v56 =	vld [tilespmem:$0x1E60];
	v8 =	vadd.f32 v28, v8;
	v2 =	vadd.f32 v4, v2  }
0x112: {  	v57 =	vadd.f32 v40, v5;
	v58 =	vadd.f32 v48, v7  }
0x113: {  	v59 =	vld [tilespmem:$0x1E70];
	v6 =	vadd.f32 v29, v6;
	v2 =	vadd.f32 v8, v2  }
0x114: {  	v3 =	vadd.f32 v41, v3;
	v5 =	vadd.f32 v52, v58  }
0x115: {  	v60 =	vld [tilespmem:$0x1E80];
	v4 =	vadd.f32 v49, v57;
	v2 =	vadd.f32 v6, v2  }
0x116: {  	v61 =	vmul.f32 $1.442695020e+00, v56;
	v3 =	vadd.f32 v50, v3  }
0x117: {  	v4 =	vadd.f32 v53, v4;
	v2 =	vadd.f32 v5, v2  }
0x118: {  	v62 =	vmul.f32 $1.442695020e+00, v59;
	v1 =	vadd.f32 v44, v1;
	(erf) = vpow2.f32 v61  }
0x119: {  	v3 =	vadd.f32 v54, v3;
	v2 =	vadd.f32 v4, v2  }
0x11a: {  	v63 =	vmul.f32 $1.442695020e+00, v60;
	(erf) = vpow2.f32 v62  }
0x11b: {  	v1 =	vadd.f32 v26, v1;
	v2 =	vadd.f32 v3, v2  }
0x11c: {  	v0 =	vadd.f32 v43, v0;
	(erf) = vpow2.f32 v63  }
0x11d: {  	v1 =	vadd.f32 v1, v2  }
0x11e: {  	v0 =	vadd.f32 v25, v0;
	_ =	sdelay $0x1  }
0x11f: {  	v0 =	vadd.f32 v0, v1  }
0x120: {  	v1 =	vpop (erf)  }
0x121: {  	v0 =	vadd.f32 v1, v0  }
0x122: {  	v1 =	vpop (erf)  }
.Ltmp5:
0x123: {  	v0 =	vadd.f32 v1, v0;
	(pc) =	sbr.rel @!p0 .LBB2_8-.Ltmp5, $3  }
0x124: {  	v1 =	vpop (erf)  }
0x125: {  	v0 =	vadd.f32 v1, v0;
	_ =	sdelay $0x1  }
0x126: {  	[tilespmem:$0x4200] =	vst v0  }
0x127: {  	_ =	swait.ge [sflag:s19], $0x18D0  }
0x128: {  	s23 =	simm.s32 $0x0;
	[sflag:s19] =	ssyncset.done $0x0  }
0x129: {  	s23 =	sand.u32 $0x3FF0, s23;
	[sflag:s19] =	ssyncadd.s32 $0xFFFFE730  }
0x12a: {  	s24 =	simm.s32 $0x1F40;
	v1 =	vld [tilespmem:s23+$0x1F80]  }
0x12b: {  	v2 =	vld [tilespmem:s24+$0x30]  }
0x12c: {  	v3 =	vld [tilespmem:s24+$0xFFFFFFD0]  }
0x12d: {  	v4 =	vld [tilespmem:s24+$0xFFFFFFE0]  }
0x12e: {  	v5 =	vld [tilespmem:s24+$0xFFFFFFF0]  }
0x12f: {  	v6 =	vld [tilespmem:s24+$0x0]  }
0x130: {  	v7 =	vld [tilespmem:s24+$0x10];
	v1 =	vmul.f32 $1.442695020e+00, v1  }
0x131: {  	s29 =	simm.s32 $0x90;
	v8 =	vld [tilespmem:s24+$0x20];
	v2 =	vmul.f32 $1.442695020e+00, v2;
	v3 =	vmul.f32 $1.442695020e+00, v3  }
0x132: {  	s23 =	sand.u32 $0x3FF0, s29;
	v4 =	vmul.f32 $1.442695020e+00, v4;
	(erf) = vpow2.f32 v1;
	v1 =	vld [tilespmem:s24+$0xFFFFFFC0]  }
0x133: {  	s30 =	simm.s32 $0x1FD0;
	v5 =	vmul.f32 $1.442695020e+00, v5;
	(erf) = vpow2.f32 v2;
	v2 =	vld [tilespmem:s23+$0x1F80]  }
0x134: {  	v6 =	vmul.f32 $1.442695020e+00, v6;
	(erf) = vpow2.f32 v3;
	v3 =	vld [tilespmem:s30+$0x30]  }
0x135: {  	v7 =	vmul.f32 $1.442695020e+00, v7;
	(erf) = vpow2.f32 v4;
	v4 =	vld [tilespmem:s30+$0xFFFFFFD0]  }
0x136: {  	v8 =	vmul.f32 $1.442695020e+00, v8;
	(erf) = vpow2.f32 v5;
	v5 =	vld [tilespmem:s30+$0xFFFFFFE0]  }
0x137: {  	(erf) = vpow2.f32 v6;
	v1 =	vmul.f32 $1.442695020e+00, v1  }
0x138: {  	v6 =	vld [tilespmem:s30+$0xFFFFFFF0];
	(erf) = vpow2.f32 v7;
	v2 =	vmul.f32 $1.442695020e+00, v2  }
0x139: {  	(erf) = vpow2.f32 v8;
	v7 =	vmul.f32 $1.442695020e+00, v3  }
0x13a: {  	v10 =	vld [tilespmem:s30+$0x0];
	v3 =	vimm.f32 $0.0e+00;
	(erf) = vpow2.f32 v1;
	v4 =	vmul.f32 $1.442695020e+00, v4  }
0x13b: {  	v11 =	vld [tilespmem:s30+$0x10];
	v8 =	vimm.f32 $0.0e+00;
	(erf) = vpow2.f32 v2;
	v1 =	vpop (erf);
	v15 =	vmul.f32 $1.442695020e+00, v5  }
0x13c: {  	s31 =	simm.s32 $0x120;
	v12 =	vld [tilespmem:s30+$0x20];
	v5 =	vimm.f32 $0.0e+00;
	(erf) = vpow2.f32 v7;
	v1 =	vadd.f32 v1, v3  }
0x13d: {  	v13 =	vld [tilespmem:s30+$0xFFFFFFC0];
	s24 =	sand.u32 $0x3FF0, s31;
	v2 =	vpop (erf);
	v16 =	vmul.f32 $1.442695020e+00, v6;
	v6 =	vimm.f32 $0.0e+00;
	v7 =	vimm.f32 $0.0e+00  }
0x13e: {  	v14 =	vld [tilespmem:s24+$0x1F80];
	s24 =	simm.s32 $0x1B0;
	s23 =	simm.s32 $0x2060;
	(erf) = vpow2.f32 v4;
	v2 =	vadd.f32 v2, v3;
	v9 =	vpop (erf);
	v4 =	vimm.f32 $0.0e+00  }
.LBB2_12:
0x13f: {  	p1 =	sne.s32 s24, $0x1830;
	v17 =	vld [tilespmem:s23+$0x30];
	v10 =	vmul.f32 $1.442695020e+00, v10;
	(erf) = vpow2.f32 v15;
	v3 =	vadd.f32 v9, v3;
	v9 =	vpop (erf)  }
0x140: {  	v15 =	vld [tilespmem:s23+$0xFFFFFFD0];
	v11 =	vmul.f32 $1.442695020e+00, v11;
	(erf) = vpow2.f32 v16;
	v8 =	vadd.f32 v9, v8;
	v9 =	vpop (erf)  }
0x141: {  	v16 =	vld [tilespmem:s23+$0xFFFFFFE0];
	v12 =	vmul.f32 $1.442695020e+00, v12;
	(erf) = vpow2.f32 v10;
	v6 =	vadd.f32 v9, v6;
	v9 =	vpop (erf)  }
0x142: {  	v18 =	vld [tilespmem:s23+$0xFFFFFFF0];
	v13 =	vmul.f32 $1.442695020e+00, v13;
	(erf) = vpow2.f32 v11;
	v7 =	vadd.f32 v9, v7;
	v9 =	vpop (erf)  }
.Ltmp6:
0x143: {  	v10 =	vld [tilespmem:s23+$0x0];
	v20 =	vmul.f32 $1.442695020e+00, v14;
	(erf) = vpow2.f32 v12;
	v5 =	vadd.f32 v9, v5;
	v9 =	vpop (erf);
	(pc) =	sbr.rel @p1 .LBB2_12-.Ltmp6, $4  }
0x144: {  	v11 =	vld [tilespmem:s23+$0x10];
	v17 =	vmul.f32 $1.442695020e+00, v17;
	(erf) = vpow2.f32 v13;
	v4 =	vadd.f32 v9, v4;
	v9 =	vpop (erf)  }
0x145: {  	v19 =	vmul.f32 $1.442695020e+00, v15;
	v12 =	vld [tilespmem:s23+$0x20];
	(erf) = vpow2.f32 v20;
	v14 =	vpop (erf);
	v0 =	vadd.f32 v9, v0  }
0x146: {  	s25 =	sand.u32 $0x3FF0, s24;
	v13 =	vld [tilespmem:s23+$0xFFFFFFC0];
	v15 =	vmul.f32 $1.442695020e+00, v16;
	(erf) = vpow2.f32 v17;
	v1 =	vadd.f32 v14, v1;
	v9 =	vpop (erf)  }
0x147: {  	s24 =	sadd.s32 $0x90, s24;
	s23 =	sadd.s32 $0x90, s23;
	v14 =	vld [tilespmem:s25+$0x1F80];
	v16 =	vmul.f32 $1.442695020e+00, v18;
	(erf) = vpow2.f32 v19;
	v2 =	vadd.f32 v9, v2;
	v9 =	vpop (erf)  }
0x148: {  	v17 =	vld [tilespmem:s23+$0x30];
	v10 =	vmul.f32 $1.442695020e+00, v10;
	(erf) = vpow2.f32 v15;
	v44 =	vpop (erf)  }
0x149: {  	v18 =	vld [tilespmem:s23+$0xFFFFFFD0];
	v11 =	vmul.f32 $1.442695020e+00, v11;
	(erf) = vpow2.f32 v16;
	v45 =	vpop (erf)  }
0x14a: {  	v19 =	vld [tilespmem:s23+$0xFFFFFFE0];
	v12 =	vmul.f32 $1.442695020e+00, v12;
	(erf) = vpow2.f32 v10;
	v46 =	vpop (erf)  }
0x14b: {  	v20 =	vld [tilespmem:s23+$0xFFFFFFF0];
	v13 =	vmul.f32 $1.442695020e+00, v13;
	(erf) = vpow2.f32 v11;
	v47 =	vpop (erf)  }
0x14c: {  	v21 =	vld [tilespmem:s23+$0x0];
	v14 =	vmul.f32 $1.442695020e+00, v14;
	(erf) = vpow2.f32 v12;
	v48 =	vpop (erf)  }
0x14d: {  	v22 =	vld [tilespmem:s23+$0x10];
	v17 =	vmul.f32 $1.442695020e+00, v17;
	(erf) = vpow2.f32 v13;
	v49 =	vpop (erf)  }
0x14e: {  	v23 =	vld [tilespmem:s23+$0x20];
	v18 =	vmul.f32 $1.442695020e+00, v18;
	(erf) = vpow2.f32 v14;
	v50 =	vpop (erf)  }
0x14f: {  	v24 =	vld [tilespmem:s23+$0xFFFFFFC0];
	v19 =	vmul.f32 $1.442695020e+00, v19;
	(erf) = vpow2.f32 v17;
	v51 =	vpop (erf)  }
0x150: {  	v20 =	vmul.f32 $1.442695020e+00, v20;
	(erf) = vpow2.f32 v18;
	v52 =	vpop (erf)  }
0x151: {  	v21 =	vmul.f32 $1.442695020e+00, v21;
	(erf) = vpow2.f32 v19;
	v53 =	vpop (erf)  }
0x152: {  	v22 =	vmul.f32 $1.442695020e+00, v22;
	(erf) = vpow2.f32 v20;
	v54 =	vpop (erf)  }
0x153: {  	v23 =	vmul.f32 $1.442695020e+00, v23;
	(erf) = vpow2.f32 v21;
	v55 =	vpop (erf)  }
0x154: {  	v24 =	vmul.f32 $1.442695020e+00, v24;
	(erf) = vpow2.f32 v22;
	v56 =	vpop (erf)  }
0x155: {  	(erf) = vpow2.f32 v23;
	v57 =	vpop (erf)  }
0x156: {  	(erf) = vpow2.f32 v24;
	v58 =	vpop (erf)  }
0x157: {  	v25 =	vpop (erf)  }
0x158: {  	v26 =	vpop (erf)  }
0x159: {  	v27 =	vpop (erf)  }
0x15a: {  	v28 =	vpop (erf)  }
0x15b: {  	v29 =	vpop (erf)  }
0x15c: {  	v3 =	vadd.f32 v9, v3;
	v0 =	vadd.f32 v49, v0;
	v59 =	vpop (erf)  }
0x15d: {  	v8 =	vadd.f32 v44, v8;
	v60 =	vpop (erf)  }
0x15e: {  	v3 =	vadd.f32 v52, v3;
	v0 =	vadd.f32 v58, v0;
	v61 =	vpop (erf)  }
0x15f: {  	v6 =	vadd.f32 v45, v6;
	v8 =	vadd.f32 v53, v8;
	v62 =	vpop (erf)  }
0x160: {  	v3 =	vadd.f32 v27, v3;
	v0 =	vadd.f32 v62, v0  }
0x161: {  	v7 =	vadd.f32 v46, v7;
	v6 =	vadd.f32 v54, v6  }
0x162: {  	v8 =	vadd.f32 v28, v8;
	v0 =	vadd.f32 v3, v0  }
0x163: {  	v63 =	vadd.f32 v55, v7;
	v6 =	vadd.f32 v29, v6  }
0x164: {  	v3 =	vadd.f32 v47, v5;
	v0 =	vadd.f32 v8, v0  }
0x165: {  	v4 =	vadd.f32 v48, v4;
	v5 =	vadd.f32 v59, v63  }
0x166: {  	v3 =	vadd.f32 v56, v3;
	v0 =	vadd.f32 v6, v0  }
0x167: {  	v4 =	vadd.f32 v57, v4  }
0x168: {  	v3 =	vadd.f32 v60, v3;
	v0 =	vadd.f32 v5, v0  }
0x169: {  	v2 =	vadd.f32 v51, v2  }
0x16a: {  	v4 =	vadd.f32 v61, v4;
	v0 =	vadd.f32 v3, v0  }
0x16b: {  	v1 =	vadd.f32 v50, v1  }
.Ltmp7:
0x16c: {  	v2 =	vadd.f32 v26, v2;
	v0 =	vadd.f32 v4, v0;
	(pc) =	sbr.rel .LBB2_14-.Ltmp7, $3  }
0x16d: {  	_ = 	snop  }
0x16e: {  	v1 =	vadd.f32 v25, v1;
	v0 =	vadd.f32 v2, v0;
	_ =	sdelay $0x1  }
0x16f: {  	s23 =	simm.s32 $0x37C0;
	v0 =	vadd.f32 v1, v0  }
.LBB2_8:
0x170: {  	_ =	swait.ge [sflag:s19], $0x1E90  }
0x171: {  	s23 =	simm.s32 $0x0;
	[sflag:s19] =	ssyncset.done $0x0  }
0x172: {  	s23 =	sand.u32 $0x3FF0, s23;
	[sflag:s19] =	ssyncadd.s32 $0xFFFFE170  }
0x173: {  	s24 =	simm.s32 $0x1F40;
	v1 =	vld [tilespmem:s23+$0x1F80]  }
0x174: {  	v2 =	vld [tilespmem:s24+$0x30]  }
0x175: {  	v3 =	vld [tilespmem:s24+$0xFFFFFFD0]  }
0x176: {  	v4 =	vld [tilespmem:s24+$0xFFFFFFE0]  }
0x177: {  	v5 =	vld [tilespmem:s24+$0xFFFFFFF0]  }
0x178: {  	v6 =	vld [tilespmem:s24+$0x0]  }
0x179: {  	v7 =	vld [tilespmem:s24+$0x10];
	v1 =	vmul.f32 $1.442695020e+00, v1  }
0x17a: {  	s29 =	simm.s32 $0x90;
	v8 =	vld [tilespmem:s24+$0x20];
	v2 =	vmul.f32 $1.442695020e+00, v2;
	v3 =	vmul.f32 $1.442695020e+00, v3  }
0x17b: {  	s23 =	sand.u32 $0x3FF0, s29;
	v4 =	vmul.f32 $1.442695020e+00, v4;
	(erf) = vpow2.f32 v1;
	v1 =	vld [tilespmem:s24+$0xFFFFFFC0]  }
0x17c: {  	s30 =	simm.s32 $0x1FD0;
	v5 =	vmul.f32 $1.442695020e+00, v5;
	(erf) = vpow2.f32 v2;
	v2 =	vld [tilespmem:s23+$0x1F80]  }
0x17d: {  	v6 =	vmul.f32 $1.442695020e+00, v6;
	(erf) = vpow2.f32 v3;
	v3 =	vld [tilespmem:s30+$0x30]  }
0x17e: {  	v7 =	vmul.f32 $1.442695020e+00, v7;
	(erf) = vpow2.f32 v4;
	v4 =	vld [tilespmem:s30+$0xFFFFFFD0]  }
0x17f: {  	v8 =	vmul.f32 $1.442695020e+00, v8;
	(erf) = vpow2.f32 v5;
	v5 =	vld [tilespmem:s30+$0xFFFFFFE0]  }
0x180: {  	(erf) = vpow2.f32 v6;
	v1 =	vmul.f32 $1.442695020e+00, v1  }
0x181: {  	v6 =	vld [tilespmem:s30+$0xFFFFFFF0];
	(erf) = vpow2.f32 v7;
	v2 =	vmul.f32 $1.442695020e+00, v2  }
0x182: {  	(erf) = vpow2.f32 v8;
	v3 =	vmul.f32 $1.442695020e+00, v3  }
0x183: {  	v10 =	vld [tilespmem:s30+$0x0];
	v8 =	vimm.f32 $0.0e+00;
	(erf) = vpow2.f32 v1;
	v7 =	vmul.f32 $1.442695020e+00, v4  }
0x184: {  	v11 =	vld [tilespmem:s30+$0x10];
	v4 =	vimm.f32 $0.0e+00;
	(erf) = vpow2.f32 v2;
	v1 =	vpop (erf);
	v15 =	vmul.f32 $1.442695020e+00, v5  }
0x185: {  	s31 =	simm.s32 $0x120;
	v12 =	vld [tilespmem:s30+$0x20];
	v5 =	vimm.f32 $0.0e+00;
	(erf) = vpow2.f32 v3;
	v1 =	vadd.f32 v1, v4  }
0x186: {  	v13 =	vld [tilespmem:s30+$0xFFFFFFC0];
	s24 =	sand.u32 $0x3FF0, s31;
	v2 =	vpop (erf);
	v16 =	vmul.f32 $1.442695020e+00, v6;
	v6 =	vimm.f32 $0.0e+00;
	v3 =	vimm.f32 $0.0e+00  }
0x187: {  	v14 =	vld [tilespmem:s24+$0x1F80];
	s24 =	simm.s32 $0x1B0;
	s23 =	simm.s32 $0x2060;
	(erf) = vpow2.f32 v7;
	v2 =	vadd.f32 v2, v4;
	v9 =	vpop (erf);
	v7 =	vimm.f32 $0.0e+00  }
.LBB2_9:
0x188: {  	p1 =	sne.s32 s24, $0x1DD0;
	v17 =	vld [tilespmem:s23+$0x30];
	v10 =	vmul.f32 $1.442695020e+00, v10;
	(erf) = vpow2.f32 v15;
	v4 =	vadd.f32 v9, v4;
	v9 =	vpop (erf)  }
0x189: {  	v11 =	vmul.f32 $1.442695020e+00, v11;
	v15 =	vld [tilespmem:s23+$0xFFFFFFD0];
	(erf) = vpow2.f32 v16;
	v8 =	vadd.f32 v9, v8;
	v9 =	vpop (erf)  }
0x18a: {  	v12 =	vmul.f32 $1.442695020e+00, v12;
	v16 =	vld [tilespmem:s23+$0xFFFFFFE0];
	(erf) = vpow2.f32 v10;
	v6 =	vadd.f32 v9, v6;
	v9 =	vpop (erf)  }
0x18b: {  	v13 =	vmul.f32 $1.442695020e+00, v13;
	v18 =	vld [tilespmem:s23+$0xFFFFFFF0];
	(erf) = vpow2.f32 v11;
	v7 =	vadd.f32 v9, v7;
	v9 =	vpop (erf)  }
.Ltmp8:
0x18c: {  	v20 =	vmul.f32 $1.442695020e+00, v14;
	v10 =	vld [tilespmem:s23+$0x0];
	(erf) = vpow2.f32 v12;
	v5 =	vadd.f32 v9, v5;
	v9 =	vpop (erf);
	(pc) =	sbr.rel @p1 .LBB2_9-.Ltmp8, $4  }
0x18d: {  	v11 =	vld [tilespmem:s23+$0x10];
	v17 =	vmul.f32 $1.442695020e+00, v17;
	(erf) = vpow2.f32 v13;
	v3 =	vadd.f32 v9, v3;
	v9 =	vpop (erf)  }
0x18e: {  	v19 =	vmul.f32 $1.442695020e+00, v15;
	v12 =	vld [tilespmem:s23+$0x20];
	(erf) = vpow2.f32 v20;
	v14 =	vpop (erf);
	v0 =	vadd.f32 v9, v0  }
0x18f: {  	s25 =	sand.u32 $0x3FF0, s24;
	v13 =	vld [tilespmem:s23+$0xFFFFFFC0];
	v15 =	vmul.f32 $1.442695020e+00, v16;
	(erf) = vpow2.f32 v17;
	v1 =	vadd.f32 v14, v1;
	v9 =	vpop (erf)  }
0x190: {  	s24 =	sadd.s32 $0x90, s24;
	s23 =	sadd.s32 $0x90, s23;
	v14 =	vld [tilespmem:s25+$0x1F80];
	v16 =	vmul.f32 $1.442695020e+00, v18;
	(erf) = vpow2.f32 v19;
	v2 =	vadd.f32 v9, v2;
	v9 =	vpop (erf)  }
.Ltmp9:
0x191: {  	_ = 	snop;
	(pc) =	sbr.rel .LBB2_10-.Ltmp9, $1  }
0x192: {  	_ =	sdelay $0x3  }
.LBB2_15:
0x193: {  	_ =	sfence.sel $0x180000  }
0x194: {  	[bflag:$0x0] =	sbarrier.arrive $0xFFFF  }
0x195: {  	p0 =	sne.s32 s0, $0x0;
	_ =	strace $0x90000047  }
0x196: {  	s0 =	sadd.s32 @!p0 $0x100000, s2;
	[bflag:$0x2] =	sbarrier.arrive $0xFFFF  }
0x197: {  	[sflag:s0] =	ssyncadd.tile.s32 @!p0 $0x1;
	_ =	shalt  }
.Lfunc_end2:
_tile_overlayer_lowered:
.L_overlay_start_2:
0x198: {  	(tag) =	ssettag $0x2  }
0x199: {  	s0 =	rddreg [dreg:$0x0];
	s2 =	stileid.u32  }
0x19a: {  	s1 =	rddreg [dreg:$0x1];
	p0 =	sne.s32 s2, $0x0  }
0x19b: {  	s3 =	rddreg [dreg:$0x2];
	[bflag:$0x3] =	sbarrier.arrive $0xFFFF;
	s2 =	simm.s32 @!p0 $0x1C04  }
0x19c: {  	[timem:s3], [sflag:s2] =	dma.local @!p0 [hbm:s0], s1  }
0x19d: {  	s0 =	simm.s32 @!p0 $0x4  }
0x19e: {  	_ =	swait.ge @!p0 [sflag:s0], s1  }
0x19f: {  	s1 =	ssub.s32 @!p0 $0x0, s1;
	[sflag:s0] =	ssyncset.done @!p0 $0x0  }
0x1a0: {  	[sflag:s0] =	ssyncadd.s32 @!p0 s1  }
0x1a1: {  	[bflag:$0x3] =	sbarrier.arrive $0xFFFF  }
0x1a2: {  	_ =	shalt  }

</sc_bundles>
